<compile_context>
chip_gen: v7x
topology: tpu7x:2x2x1
jax: 0.10.2.dev20260603
libtpu: 0.0.44.dev20260713+nightly
codegen_flags: <defaults>
</compile_context>

<pallas_src>
import functools

import jax
import jax.numpy as jnp
from jax import lax
from jax.experimental import pallas as pl
from jax.experimental.pallas import tpu as pltpu
from jax.experimental.pallas import tpu_sc as plsc

B = 16384
D = 16
V = 100000
VE = 1000
NC = 2
L = 16
HB = B // 2
NROW = HB // 128

_mesh = plsc.VectorSubcoreMesh(core_axis_name="c", subcore_axis_name="s")


def _one_feature(idx_hbm, tbl, piece, col_v, idx_v, out_v, sem_a, sem_b,
                 f, h, vocab):
    cc = pltpu.make_async_copy(
        tbl.at[f, pl.ds(0, vocab)], col_v.at[pl.ds(0, vocab)], sem_a
    )
    cc.start()
    ci = pltpu.make_async_copy(
        idx_hbm.at[pl.ds(h * HB, HB)], idx_v.at[...], sem_b
    )
    ci.start()
    cc.wait()
    ci.wait()

    def _blk(g, _):
        for j in range(8):
            iv = idx_v[pl.ds((g * 8 + j) * L, L)]
            out_v[g, pl.ds(j * L, L)] = plsc.load_gather(col_v, [iv])
        return 0

    lax.fori_loop(0, NROW, _blk, 0)

    co = pltpu.make_async_copy(
        out_v.at[...], piece.at[f, pl.ds(h * NROW, NROW)], sem_a
    )
    co.start()
    co.wait()


_scratch = [
    pltpu.VMEM((V,), jnp.float32),
    pltpu.VMEM((HB,), jnp.int32),
    pltpu.VMEM((NROW, 128), jnp.float32),
    pltpu.SemaphoreType.DMA,
    pltpu.SemaphoreType.DMA,
]
_params = pltpu.CompilerParams(
    use_tc_tiling_on_sc=False, needs_layout_passes=False
)


@functools.partial(
    pl.kernel,
    out_type=[jax.ShapeDtypeStruct((D, 128, 128), jnp.float32)] * 2,
    mesh=_mesh,
    scratch_types=[
        pltpu.VMEM((V,), jnp.float32),
        pltpu.VMEM((HB,), jnp.int32),
        pltpu.VMEM((NROW, 128), jnp.float32),
        pltpu.VMEM((VE,), jnp.float32),
        pltpu.VMEM((HB,), jnp.int32),
        pltpu.SemaphoreType.DMA,
        pltpu.SemaphoreType.DMA,
        pltpu.SemaphoreType.DMA,
        pltpu.SemaphoreType.DMA,
    ],
    compiler_params=_params,
)
def _gather_big_edu(idx_hbm, eidx_hbm, tbl, etbl, piece, epiece,
                    col_v, idx_v, out_v, ecol_v, eidx_v,
                    sem_a, sem_b, sem_c, sem_d):
    wid = lax.axis_index("s") * NC + lax.axis_index("c")
    f = lax.shift_right_logical(wid, 1)
    h = wid & 1

    cc = pltpu.make_async_copy(tbl.at[f], col_v.at[...], sem_a)
    cc.start()
    ci = pltpu.make_async_copy(
        idx_hbm.at[pl.ds(h * HB, HB)], idx_v.at[...], sem_b
    )
    ci.start()
    ce = pltpu.make_async_copy(
        etbl.at[f, pl.ds(0, VE)], ecol_v.at[...], sem_c
    )
    ce.start()
    cie = pltpu.make_async_copy(
        eidx_hbm.at[pl.ds(h * HB, HB)], eidx_v.at[...], sem_d
    )
    cie.start()

    def _gloop(colref, idxref):
        def _blk(g, _):
            for j in range(8):
                iv = idxref[pl.ds((g * 8 + j) * L, L)]
                out_v[g, pl.ds(j * L, L)] = plsc.load_gather(colref, [iv])
            return 0

        lax.fori_loop(0, NROW, _blk, 0)

    cc.wait()
    ci.wait()
    _gloop(col_v, idx_v)
    co = pltpu.make_async_copy(
        out_v.at[...], piece.at[f, pl.ds(h * NROW, NROW)], sem_a
    )
    co.start()
    co.wait()

    ce.wait()
    cie.wait()
    _gloop(ecol_v, eidx_v)
    co2 = pltpu.make_async_copy(
        out_v.at[...], epiece.at[f, pl.ds(h * NROW, NROW)], sem_a
    )
    co2.start()
    co2.wait()


@functools.partial(
    pl.kernel,
    out_type=jax.ShapeDtypeStruct((D, 128, 128), jnp.float32),
    mesh=_mesh,
    scratch_types=_scratch,
    compiler_params=_params,
)
def _gather_big(idx_hbm, tbl, piece, col_v, idx_v, out_v, sem_a, sem_b):
    wid = lax.axis_index("s") * NC + lax.axis_index("c")
    f = lax.shift_right_logical(wid, 1)
    h = wid & 1
    _one_feature(idx_hbm, tbl, piece, col_v, idx_v, out_v, sem_a, sem_b,
                 f, h, V)


BLK = 16384


def _mlp_body(p0, p1, p2, p3, w1_ref, b1_ref, w2_ref, b2_ref,
              w3_ref, b3_ref, o_ref):
    x = jnp.concatenate(
        [p0[...].reshape(D, BLK), p1[...].reshape(D, BLK),
         p2[...].reshape(D, BLK), p3[...].reshape(D, BLK)], axis=0
    )
    dn = (((0,), (0,)), ((), ()))
    h = lax.dot_general(w1_ref[...], x, dn,
                        preferred_element_type=jnp.float32)
    h = jnp.maximum(h + b1_ref[...], 0.0)
    h2 = lax.dot_general(w2_ref[...], h, dn,
                         preferred_element_type=jnp.float32)
    h2 = jnp.maximum(h2 + b2_ref[...], 0.0)
    z = lax.dot_general(w3_ref[...], h2, dn,
                        preferred_element_type=jnp.float32)
    o_ref[...] = jax.nn.sigmoid(z + b3_ref[0, 0])[0]


def _mlp(pieces, W1, b1, W2, b2, W3, b3):
    grid = (B // BLK,)
    pspec = pl.BlockSpec((D, BLK // 128, 128), lambda i: (0, i, 0))
    whole = lambda shape: pl.BlockSpec(shape, lambda i: (0,) * len(shape))
    return pl.pallas_call(
        _mlp_body,
        grid=grid,
        in_specs=[
            pspec, pspec, pspec, pspec,
            whole((64, 64)), whole((64, 1)),
            whole((64, 32)), whole((32, 1)),
            whole((32, 1)), whole((1, 1)),
        ],
        out_specs=pl.BlockSpec((BLK,), lambda i: (i,)),
        out_shape=jax.ShapeDtypeStruct((B,), jnp.float32),
    )(*pieces, W1, b1, W2, b2, W3, b3)


def kernel(skills, positions, education, job_position,
           skill_table, position_table, education_table, job_position_table,
           W1, b1, W2, b2, W3, b3):
    sk = skills.astype(jnp.int32)
    po = positions.astype(jnp.int32)
    ed = education.astype(jnp.int32)
    jp = job_position.astype(jnp.int32)

    p_sk, p_ed = _gather_big_edu(sk, ed, skill_table.T, education_table.T)
    pieces = [
        p_sk,
        _gather_big(po, position_table.T),
        p_ed,
        _gather_big(jp, job_position_table.T),
    ]

    return _mlp(
        pieces, W1, b1.reshape(64, 1), W2, b2.reshape(32, 1),
        W3, b3.reshape(1, 1),
    )

# --- scband reference (transcript-rebuilt; emitter-appended) ---
"""Pipeline reference for scband-job-match-model-20169166422549 (READ-ONLY COPY).

The authoritative reference and input builder live on the scoring server;
editing this copy changes nothing except your own understanding.
"""

import jax, jax.numpy as jnp
import numpy as np

B = 16384
NUM_SKILLS = 100000
NUM_POSITIONS = 100000
NUM_EDUCATION = 1000
NUM_JOB_POSITION = 100000
D = 16

def setup_inputs(seed: int = 0) -> dict:
    key = jax.random.key(seed)
    ks = jax.random.split(key, 16)
    skills = jax.random.randint(ks[0], (B,), 0, NUM_SKILLS)
    positions = jax.random.randint(ks[1], (B,), 0, NUM_POSITIONS)
    education = jax.random.randint(ks[2], (B,), 0, NUM_EDUCATION)
    job_position = jax.random.randint(ks[3], (B,), 0, NUM_JOB_POSITION)
    skill_table = jax.random.normal(ks[4], (NUM_SKILLS, D), dtype=jnp.float32)
    position_table = jax.random.normal(ks[5], (NUM_POSITIONS, D), dtype=jnp.float32)
    education_table = jax.random.normal(ks[6], (NUM_EDUCATION, D), dtype=jnp.float32)
    job_position_table = jax.random.normal(ks[7], (NUM_JOB_POSITION, D), dtype=jnp.float32)
    # MLP params (torch Linear stores [out, in]; we store transposed [in, out])
    W1 = jax.random.normal(ks[8], (D * 4, 64), dtype=jnp.float32) * 0.05
    b1 = jnp.zeros((64,), dtype=jnp.float32)
    W2 = jax.random.normal(ks[9], (64, 32), dtype=jnp.float32) * 0.05
    b2 = jnp.zeros((32,), dtype=jnp.float32)
    W3 = jax.random.normal(ks[10], (32, 1), dtype=jnp.float32) * 0.05
    b3 = jnp.zeros((1,), dtype=jnp.float32)
    return {
        'skills': skills, 'positions': positions, 'education': education,
        'job_position': job_position,
        'skill_table': skill_table, 'position_table': position_table,
        'education_table': education_table, 'job_position_table': job_position_table,
        'W1': W1, 'b1': b1, 'W2': W2, 'b2': b2, 'W3': W3, 'b3': b3,
    }

def reference(skills, positions, education, job_position,
              skill_table, position_table, education_table, job_position_table,
              W1, b1, W2, b2, W3, b3):
    skill_emb = jnp.take(skill_table, skills, axis=0)
    position_emb = jnp.take(position_table, positions, axis=0)
    education_emb = jnp.take(education_table, education, axis=0)
    job_position_emb = jnp.take(job_position_table, job_position, axis=0)
    x = jnp.concatenate((skill_emb, position_emb, education_emb, job_position_emb), axis=1)
    x = jax.nn.relu(x @ W1 + b1)
    x = jax.nn.relu(x @ W2 + b2)
    x = jax.nn.sigmoid(x @ W3 + b3)
    return jnp.squeeze(x, axis=-1)

if __name__ == "__main__":
    import jax
    _d = setup_inputs()
    print(jax.jit(kernel)(*tuple(_d.values())))

</pallas_src>

<mosaic_0001>
#map = affine_map<(d0, d1) -> (0)>
#map1 = affine_map<(d0, d1) -> (0, 0)>
#map2 = affine_map<(d0, d1) -> (0, 0, 0)>
module attributes {stable_mosaic.version = 14 : i64} {
  func.func @_gather_big(%arg0: i32, %arg1: i32, %arg2: memref<16384xi32, #tpu.memory_space<hbm>>, %arg3: memref<16x100000xf32, #tpu.memory_space<hbm>>, %arg4: memref<16x128x128xf32, #tpu.memory_space<hbm>>, %arg5: memref<100000xf32, #tpu.memory_space<vmem>>, %arg6: memref<8192xi32, #tpu.memory_space<vmem>>, %arg7: memref<64x128xf32, #tpu.memory_space<vmem>>, %arg8: memref<!tpu.dma_semaphore, #tpu.memory_space<semaphore_mem>>, %arg9: memref<!tpu.dma_semaphore, #tpu.memory_space<semaphore_mem>>) attributes {dimension_semantics = [#tpu.dimension_semantics<core_parallel>, #tpu.dimension_semantics<subcore_parallel>], iteration_bounds = array<i64: 2, 16>, scalar_prefetch = 0 : i64, scratch_operands = 5 : i64, tpu.core_type = #tpu.core_type<sc_vector_subcore>, window_params = [{transform_indices = #map}, {transform_indices = #map1}, {transform_indices = #map2}]} {
    %mul3A = arith.constant 2 : i32
    %mul3A_0 = arith.muli %arg1, %mul3A : i32
    %add3A = arith.addi %mul3A_0, %arg0 : i32
    %shift_right_logical3A = arith.constant 1 : i32
    %shift_right_logical3A_1 = arith.shrui %add3A, %shift_right_logical3A : i32
    %and3A = arith.constant 1 : i32
    %and3A_2 = arith.andi %add3A, %and3A : i32
    %dma_start3A = arith.constant 0 : i32
    %dma_start3A_3 = tpu.memref_slice %arg5[%dma_start3A] : memref<100000xf32, #tpu.memory_space<vmem>> -> memref<100000xf32, #tpu.memory_space<vmem>>
    %dma_start3A_4 = arith.constant 0 : i32
    %dma_start3A_5 = tpu.memref_slice %arg3[%shift_right_logical3A_1, %dma_start3A_4] : memref<16x100000xf32, #tpu.memory_space<hbm>> -> memref<1x100000xf32, #tpu.memory_space<hbm>>
    %dma_start3A_6 = tpu.memref_squeeze %dma_start3A_5 : memref<1x100000xf32, #tpu.memory_space<hbm>> -> memref<100000xf32, #tpu.memory_space<hbm>>
    %dma_start3A_7 = arith.constant 0 : i32
    %dma_start3A_8 = tpu.memref_slice %arg5[%dma_start3A_7] : memref<100000xf32, #tpu.memory_space<vmem>> -> memref<100000xf32, #tpu.memory_space<vmem>>
    %dma_start3A_9 = arith.constant 0 : i32
    %dma_start3A_10 = tpu.memref_slice %arg3[%shift_right_logical3A_1, %dma_start3A_9] : memref<16x100000xf32, #tpu.memory_space<hbm>> -> memref<1x100000xf32, #tpu.memory_space<hbm>>
    %dma_start3A_11 = tpu.memref_squeeze %dma_start3A_10 : memref<1x100000xf32, #tpu.memory_space<hbm>> -> memref<100000xf32, #tpu.memory_space<hbm>>
    tpu.enqueue_dma source(%dma_start3A_11 : memref<100000xf32, #tpu.memory_space<hbm>>) target(%dma_start3A_8 : memref<100000xf32, #tpu.memory_space<vmem>>) target_semaphore(%arg8 : memref<!tpu.dma_semaphore, #tpu.memory_space<semaphore_mem>>)
    %mul3A_12 = arith.constant 8192 : i32
    %mul3A_13 = arith.muli %and3A_2, %mul3A_12 : i32
    %dma_start3A_14 = arith.constant 0 : i32
    %dma_start3A_15 = tpu.memref_slice %arg6[%dma_start3A_14] : memref<8192xi32, #tpu.memory_space<vmem>> -> memref<8192xi32, #tpu.memory_space<vmem>>
    %dma_start3A_16 = tpu.memref_slice %arg2[%mul3A_13] : memref<16384xi32, #tpu.memory_space<hbm>> -> memref<8192xi32, #tpu.memory_space<hbm>>
    %dma_start3A_17 = arith.constant 0 : i32
    %dma_start3A_18 = tpu.memref_slice %arg6[%dma_start3A_17] : memref<8192xi32, #tpu.memory_space<vmem>> -> memref<8192xi32, #tpu.memory_space<vmem>>
    %dma_start3A_19 = tpu.memref_slice %arg2[%mul3A_13] : memref<16384xi32, #tpu.memory_space<hbm>> -> memref<8192xi32, #tpu.memory_space<hbm>>
    tpu.enqueue_dma source(%dma_start3A_19 : memref<8192xi32, #tpu.memory_space<hbm>>) target(%dma_start3A_18 : memref<8192xi32, #tpu.memory_space<vmem>>) target_semaphore(%arg9 : memref<!tpu.dma_semaphore, #tpu.memory_space<semaphore_mem>>)
    %dma_wait3A = arith.constant 0 : i32
    %dma_wait3A_20 = tpu.memref_slice %arg5[%dma_wait3A] : memref<100000xf32, #tpu.memory_space<vmem>> -> memref<100000xf32, #tpu.memory_space<vmem>>
    %dma_wait3A_21 = arith.constant 0 : i32
    %dma_wait3A_22 = tpu.memref_slice %arg3[%shift_right_logical3A_1, %dma_wait3A_21] : memref<16x100000xf32, #tpu.memory_space<hbm>> -> memref<1x100000xf32, #tpu.memory_space<hbm>>
    %dma_wait3A_23 = tpu.memref_squeeze %dma_wait3A_22 : memref<1x100000xf32, #tpu.memory_space<hbm>> -> memref<100000xf32, #tpu.memory_space<hbm>>
    %dma_wait3A_24 = arith.constant 0 : i32
    %dma_wait3A_25 = tpu.memref_slice %arg5[%dma_wait3A_24] : memref<100000xf32, #tpu.memory_space<vmem>> -> memref<100000xf32, #tpu.memory_space<vmem>>
    %dma_wait3A_26 = arith.constant 0 : i32
    %dma_wait3A_27 = tpu.memref_slice %arg3[%shift_right_logical3A_1, %dma_wait3A_26] : memref<16x100000xf32, #tpu.memory_space<hbm>> -> memref<1x100000xf32, #tpu.memory_space<hbm>>
    %dma_wait3A_28 = tpu.memref_squeeze %dma_wait3A_27 : memref<1x100000xf32, #tpu.memory_space<hbm>> -> memref<100000xf32, #tpu.memory_space<hbm>>
    tpu.wait_dma2 semaphore(%arg8 : memref<!tpu.dma_semaphore, #tpu.memory_space<semaphore_mem>>) src(%dma_wait3A_28 : memref<100000xf32, #tpu.memory_space<hbm>>) dst(%dma_wait3A_25 : memref<100000xf32, #tpu.memory_space<vmem>>)
    %dma_wait3A_29 = arith.constant 0 : i32
    %dma_wait3A_30 = tpu.memref_slice %arg6[%dma_wait3A_29] : memref<8192xi32, #tpu.memory_space<vmem>> -> memref<8192xi32, #tpu.memory_space<vmem>>
    %dma_wait3A_31 = tpu.memref_slice %arg2[%mul3A_13] : memref<16384xi32, #tpu.memory_space<hbm>> -> memref<8192xi32, #tpu.memory_space<hbm>>
    %dma_wait3A_32 = arith.constant 0 : i32
    %dma_wait3A_33 = tpu.memref_slice %arg6[%dma_wait3A_32] : memref<8192xi32, #tpu.memory_space<vmem>> -> memref<8192xi32, #tpu.memory_space<vmem>>
    %dma_wait3A_34 = tpu.memref_slice %arg2[%mul3A_13] : memref<16384xi32, #tpu.memory_space<hbm>> -> memref<8192xi32, #tpu.memory_space<hbm>>
    tpu.wait_dma2 semaphore(%arg9 : memref<!tpu.dma_semaphore, #tpu.memory_space<semaphore_mem>>) src(%dma_wait3A_34 : memref<8192xi32, #tpu.memory_space<hbm>>) dst(%dma_wait3A_33 : memref<8192xi32, #tpu.memory_space<vmem>>)
    %scan3A = arith.constant 0 : i32
    %scan3A_35 = arith.constant 0 : i32
    %scan3A_36 = arith.constant 64 : i32
    %scan3A_37 = arith.addi %scan3A_35, %scan3A_36 : i32
    %scan3A_38 = arith.constant 1 : i32
    %scan3A_39 = scf.for %scan3A_67 = %scan3A_35 to %scan3A_37 step %scan3A_38 iter_args(%scan3A_68 = %scan3A) -> (i32)  : i32 {
      %mul3A_69 = arith.constant 8 : i32
      %mul3A_70 = arith.muli %scan3A_67, %mul3A_69 : i32
      %add3A_71 = arith.constant 0 : i32
      %add3A_72 = arith.addi %mul3A_70, %add3A_71 : i32
      %mul3A_73 = arith.constant 16 : i32
      %mul3A_74 = arith.muli %add3A_72, %mul3A_73 : i32
      %get3A = arith.index_cast %mul3A_74 : i32 to index
      %get3A_75 = tpu.vector_load %arg6[%get3A] {strides = array<i32>} : memref<8192xi32, #tpu.memory_space<vmem>>, vector<16xi32>,
      %gather3A = tpu.vector_load_idx %arg5[%get3A_75] : memref<100000xf32, #tpu.memory_space<vmem>>[vector<16xi32>], vector<16xf32>,
      %swap3A = arith.index_cast %scan3A_67 : i32 to index
      %swap3A_76 = arith.constant 0 : index
      %swap3A_77 = tpu.vector_load %arg7[%swap3A, %swap3A_76] {strides = array<i32>} : memref<64x128xf32, #tpu.memory_space<vmem>>, vector<16xf32>,
      tpu.vector_store %arg7[%swap3A, %swap3A_76], %gather3A {strides = array<i32>} : memref<64x128xf32, #tpu.memory_space<vmem>>, vector<16xf32>,
      %mul3A_78 = arith.constant 8 : i32
      %mul3A_79 = arith.muli %scan3A_67, %mul3A_78 : i32
      %add3A_80 = arith.constant 1 : i32
      %add3A_81 = arith.addi %mul3A_79, %add3A_80 : i32
      %mul3A_82 = arith.constant 16 : i32
      %mul3A_83 = arith.muli %add3A_81, %mul3A_82 : i32
      %get3A_84 = arith.index_cast %mul3A_83 : i32 to index
      %get3A_85 = tpu.vector_load %arg6[%get3A_84] {strides = array<i32>} : memref<8192xi32, #tpu.memory_space<vmem>>, vector<16xi32>,
      %gather3A_86 = tpu.vector_load_idx %arg5[%get3A_85] : memref<100000xf32, #tpu.memory_space<vmem>>[vector<16xi32>], vector<16xf32>,
      %swap3A_87 = arith.index_cast %scan3A_67 : i32 to index
      %swap3A_88 = arith.constant 16 : index
      %swap3A_89 = tpu.vector_load %arg7[%swap3A_87, %swap3A_88] {strides = array<i32>} : memref<64x128xf32, #tpu.memory_space<vmem>>, vector<16xf32>,
      tpu.vector_store %arg7[%swap3A_87, %swap3A_88], %gather3A_86 {strides = array<i32>} : memref<64x128xf32, #tpu.memory_space<vmem>>, vector<16xf32>,
      %mul3A_90 = arith.constant 8 : i32
      %mul3A_91 = arith.muli %scan3A_67, %mul3A_90 : i32
      %add3A_92 = arith.constant 2 : i32
      %add3A_93 = arith.addi %mul3A_91, %add3A_92 : i32
      %mul3A_94 = arith.constant 16 : i32
      %mul3A_95 = arith.muli %add3A_93, %mul3A_94 : i32
      %get3A_96 = arith.index_cast %mul3A_95 : i32 to index
      %get3A_97 = tpu.vector_load %arg6[%get3A_96] {strides = array<i32>} : memref<8192xi32, #tpu.memory_space<vmem>>, vector<16xi32>,
      %gather3A_98 = tpu.vector_load_idx %arg5[%get3A_97] : memref<100000xf32, #tpu.memory_space<vmem>>[vector<16xi32>], vector<16xf32>,
      %swap3A_99 = arith.index_cast %scan3A_67 : i32 to index
      %swap3A_100 = arith.constant 32 : index
      %swap3A_101 = tpu.vector_load %arg7[%swap3A_99, %swap3A_100] {strides = array<i32>} : memref<64x128xf32, #tpu.memory_space<vmem>>, vector<16xf32>,
      tpu.vector_store %arg7[%swap3A_99, %swap3A_100], %gather3A_98 {strides = array<i32>} : memref<64x128xf32, #tpu.memory_space<vmem>>, vector<16xf32>,
      %mul3A_102 = arith.constant 8 : i32
      %mul3A_103 = arith.muli %scan3A_67, %mul3A_102 : i32
      %add3A_104 = arith.constant 3 : i32
      %add3A_105 = arith.addi %mul3A_103, %add3A_104 : i32
      %mul3A_106 = arith.constant 16 : i32
      %mul3A_107 = arith.muli %add3A_105, %mul3A_106 : i32
      %get3A_108 = arith.index_cast %mul3A_107 : i32 to index
      %get3A_109 = tpu.vector_load %arg6[%get3A_108] {strides = array<i32>} : memref<8192xi32, #tpu.memory_space<vmem>>, vector<16xi32>,
      %gather3A_110 = tpu.vector_load_idx %arg5[%get3A_109] : memref<100000xf32, #tpu.memory_space<vmem>>[vector<16xi32>], vector<16xf32>,
      %swap3A_111 = arith.index_cast %scan3A_67 : i32 to index
      %swap3A_112 = arith.constant 48 : index
      %swap3A_113 = tpu.vector_load %arg7[%swap3A_111, %swap3A_112] {strides = array<i32>} : memref<64x128xf32, #tpu.memory_space<vmem>>, vector<16xf32>,
      tpu.vector_store %arg7[%swap3A_111, %swap3A_112], %gather3A_110 {strides = array<i32>} : memref<64x128xf32, #tpu.memory_space<vmem>>, vector<16xf32>,
      %mul3A_114 = arith.constant 8 : i32
      %mul3A_115 = arith.muli %scan3A_67, %mul3A_114 : i32
      %add3A_116 = arith.constant 4 : i32
      %add3A_117 = arith.addi %mul3A_115, %add3A_116 : i32
      %mul3A_118 = arith.constant 16 : i32
      %mul3A_119 = arith.muli %add3A_117, %mul3A_118 : i32
      %get3A_120 = arith.index_cast %mul3A_119 : i32 to index
      %get3A_121 = tpu.vector_load %arg6[%get3A_120] {strides = array<i32>} : memref<8192xi32, #tpu.memory_space<vmem>>, vector<16xi32>,
      %gather3A_122 = tpu.vector_load_idx %arg5[%get3A_121] : memref<100000xf32, #tpu.memory_space<vmem>>[vector<16xi32>], vector<16xf32>,
      %swap3A_123 = arith.index_cast %scan3A_67 : i32 to index
      %swap3A_124 = arith.constant 64 : index
      %swap3A_125 = tpu.vector_load %arg7[%swap3A_123, %swap3A_124] {strides = array<i32>} : memref<64x128xf32, #tpu.memory_space<vmem>>, vector<16xf32>,
      tpu.vector_store %arg7[%swap3A_123, %swap3A_124], %gather3A_122 {strides = array<i32>} : memref<64x128xf32, #tpu.memory_space<vmem>>, vector<16xf32>,
      %mul3A_126 = arith.constant 8 : i32
      %mul3A_127 = arith.muli %scan3A_67, %mul3A_126 : i32
      %add3A_128 = arith.constant 5 : i32
      %add3A_129 = arith.addi %mul3A_127, %add3A_128 : i32
      %mul3A_130 = arith.constant 16 : i32
      %mul3A_131 = arith.muli %add3A_129, %mul3A_130 : i32
      %get3A_132 = arith.index_cast %mul3A_131 : i32 to index
      %get3A_133 = tpu.vector_load %arg6[%get3A_132] {strides = array<i32>} : memref<8192xi32, #tpu.memory_space<vmem>>, vector<16xi32>,
      %gather3A_134 = tpu.vector_load_idx %arg5[%get3A_133] : memref<100000xf32, #tpu.memory_space<vmem>>[vector<16xi32>], vector<16xf32>,
      %swap3A_135 = arith.index_cast %scan3A_67 : i32 to index
      %swap3A_136 = arith.constant 80 : index
      %swap3A_137 = tpu.vector_load %arg7[%swap3A_135, %swap3A_136] {strides = array<i32>} : memref<64x128xf32, #tpu.memory_space<vmem>>, vector<16xf32>,
      tpu.vector_store %arg7[%swap3A_135, %swap3A_136], %gather3A_134 {strides = array<i32>} : memref<64x128xf32, #tpu.memory_space<vmem>>, vector<16xf32>,
      %mul3A_138 = arith.constant 8 : i32
      %mul3A_139 = arith.muli %scan3A_67, %mul3A_138 : i32
      %add3A_140 = arith.constant 6 : i32
      %add3A_141 = arith.addi %mul3A_139, %add3A_140 : i32
      %mul3A_142 = arith.constant 16 : i32
      %mul3A_143 = arith.muli %add3A_141, %mul3A_142 : i32
      %get3A_144 = arith.index_cast %mul3A_143 : i32 to index
      %get3A_145 = tpu.vector_load %arg6[%get3A_144] {strides = array<i32>} : memref<8192xi32, #tpu.memory_space<vmem>>, vector<16xi32>,
      %gather3A_146 = tpu.vector_load_idx %arg5[%get3A_145] : memref<100000xf32, #tpu.memory_space<vmem>>[vector<16xi32>], vector<16xf32>,
      %swap3A_147 = arith.index_cast %scan3A_67 : i32 to index
      %swap3A_148 = arith.constant 96 : index
      %swap3A_149 = tpu.vector_load %arg7[%swap3A_147, %swap3A_148] {strides = array<i32>} : memref<64x128xf32, #tpu.memory_space<vmem>>, vector<16xf32>,
      tpu.vector_store %arg7[%swap3A_147, %swap3A_148], %gather3A_146 {strides = array<i32>} : memref<64x128xf32, #tpu.memory_space<vmem>>, vector<16xf32>,
      %mul3A_150 = arith.constant 8 : i32
      %mul3A_151 = arith.muli %scan3A_67, %mul3A_150 : i32
      %add3A_152 = arith.constant 7 : i32
      %add3A_153 = arith.addi %mul3A_151, %add3A_152 : i32
      %mul3A_154 = arith.constant 16 : i32
      %mul3A_155 = arith.muli %add3A_153, %mul3A_154 : i32
      %get3A_156 = arith.index_cast %mul3A_155 : i32 to index
      %get3A_157 = tpu.vector_load %arg6[%get3A_156] {strides = array<i32>} : memref<8192xi32, #tpu.memory_space<vmem>>, vector<16xi32>,
      %gather3A_158 = tpu.vector_load_idx %arg5[%get3A_157] : memref<100000xf32, #tpu.memory_space<vmem>>[vector<16xi32>], vector<16xf32>,
      %swap3A_159 = arith.index_cast %scan3A_67 : i32 to index
      %swap3A_160 = arith.constant 112 : index
      %swap3A_161 = tpu.vector_load %arg7[%swap3A_159, %swap3A_160] {strides = array<i32>} : memref<64x128xf32, #tpu.memory_space<vmem>>, vector<16xf32>,
      tpu.vector_store %arg7[%swap3A_159, %swap3A_160], %gather3A_158 {strides = array<i32>} : memref<64x128xf32, #tpu.memory_space<vmem>>, vector<16xf32>,
      %scan3A_162 = arith.constant 0 : i32
      scf.yield %scan3A_162 : i32
    }
    %scan3A_40 = arith.constant 64 : i32
    %mul3A_41 = arith.constant 64 : i32
    %mul3A_42 = arith.muli %and3A_2, %mul3A_41 : i32
    %dma_start3A_43 = arith.constant 0 : i32
    %dma_start3A_44 = arith.constant 0 : i32
    %dma_start3A_45 = tpu.memref_slice %arg7[%dma_start3A_43, %dma_start3A_44] : memref<64x128xf32, #tpu.memory_space<vmem>> -> memref<64x128xf32, #tpu.memory_space<vmem>>
    %dma_start3A_46 = arith.constant 0 : i32
    %dma_start3A_47 = tpu.memref_slice %arg4[%shift_right_logical3A_1, %mul3A_42, %dma_start3A_46] : memref<16x128x128xf32, #tpu.memory_space<hbm>> -> memref<1x64x128xf32, #tpu.memory_space<hbm>>
    %dma_start3A_48 = tpu.memref_squeeze %dma_start3A_47 : memref<1x64x128xf32, #tpu.memory_space<hbm>> -> memref<64x128xf32, #tpu.memory_space<hbm>>
    %dma_start3A_49 = arith.constant 0 : i32
    %dma_start3A_50 = tpu.memref_slice %arg4[%shift_right_logical3A_1, %mul3A_42, %dma_start3A_49] : memref<16x128x128xf32, #tpu.memory_space<hbm>> -> memref<1x64x128xf32, #tpu.memory_space<hbm>>
    %dma_start3A_51 = tpu.memref_squeeze %dma_start3A_50 : memref<1x64x128xf32, #tpu.memory_space<hbm>> -> memref<64x128xf32, #tpu.memory_space<hbm>>
    %dma_start3A_52 = arith.constant 0 : i32
    %dma_start3A_53 = arith.constant 0 : i32
    %dma_start3A_54 = tpu.memref_slice %arg7[%dma_start3A_52, %dma_start3A_53] : memref<64x128xf32, #tpu.memory_space<vmem>> -> memref<64x128xf32, #tpu.memory_space<vmem>>
    tpu.enqueue_dma source(%dma_start3A_54 : memref<64x128xf32, #tpu.memory_space<vmem>>) target(%dma_start3A_51 : memref<64x128xf32, #tpu.memory_space<hbm>>) target_semaphore(%arg8 : memref<!tpu.dma_semaphore, #tpu.memory_space<semaphore_mem>>)
    %dma_wait3A_55 = arith.constant 0 : i32
    %dma_wait3A_56 = arith.constant 0 : i32
    %dma_wait3A_57 = tpu.memref_slice %arg7[%dma_wait3A_55, %dma_wait3A_56] : memref<64x128xf32, #tpu.memory_space<vmem>> -> memref<64x128xf32, #tpu.memory_space<vmem>>
    %dma_wait3A_58 = arith.constant 0 : i32
    %dma_wait3A_59 = tpu.memref_slice %arg4[%shift_right_logical3A_1, %mul3A_42, %dma_wait3A_58] : memref<16x128x128xf32, #tpu.memory_space<hbm>> -> memref<1x64x128xf32, #tpu.memory_space<hbm>>
    %dma_wait3A_60 = tpu.memref_squeeze %dma_wait3A_59 : memref<1x64x128xf32, #tpu.memory_space<hbm>> -> memref<64x128xf32, #tpu.memory_space<hbm>>
    %dma_wait3A_61 = arith.constant 0 : i32
    %dma_wait3A_62 = tpu.memref_slice %arg4[%shift_right_logical3A_1, %mul3A_42, %dma_wait3A_61] : memref<16x128x128xf32, #tpu.memory_space<hbm>> -> memref<1x64x128xf32, #tpu.memory_space<hbm>>
    %dma_wait3A_63 = tpu.memref_squeeze %dma_wait3A_62 : memref<1x64x128xf32, #tpu.memory_space<hbm>> -> memref<64x128xf32, #tpu.memory_space<hbm>>
    %dma_wait3A_64 = arith.constant 0 : i32
    %dma_wait3A_65 = arith.constant 0 : i32
    %dma_wait3A_66 = tpu.memref_slice %arg7[%dma_wait3A_64, %dma_wait3A_65] : memref<64x128xf32, #tpu.memory_space<vmem>> -> memref<64x128xf32, #tpu.memory_space<vmem>>
    tpu.wait_dma2 semaphore(%arg8 : memref<!tpu.dma_semaphore, #tpu.memory_space<semaphore_mem>>) src(%dma_wait3A_66 : memref<64x128xf32, #tpu.memory_space<vmem>>) dst(%dma_wait3A_63 : memref<64x128xf32, #tpu.memory_space<hbm>>)
    return
  }
}

#map = affine_map<(d0, d1) -> (0)>
#map1 = affine_map<(d0, d1) -> (0, 0)>
#map2 = affine_map<(d0, d1) -> (0, 0, 0)>
module attributes {stable_mosaic.version = 14 : i64} {
  func.func @_gather_big_edu(%arg0: i32, %arg1: i32, %arg2: memref<16384xi32, #tpu.memory_space<hbm>>, %arg3: memref<16384xi32, #tpu.memory_space<hbm>>, %arg4: memref<16x100000xf32, #tpu.memory_space<hbm>>, %arg5: memref<16x1000xf32, #tpu.memory_space<hbm>>, %arg6: memref<16x128x128xf32, #tpu.memory_space<hbm>>, %arg7: memref<16x128x128xf32, #tpu.memory_space<hbm>>, %arg8: memref<100000xf32, #tpu.memory_space<vmem>>, %arg9: memref<8192xi32, #tpu.memory_space<vmem>>, %arg10: memref<64x128xf32, #tpu.memory_space<vmem>>, %arg11: memref<1000xf32, #tpu.memory_space<vmem>>, %arg12: memref<8192xi32, #tpu.memory_space<vmem>>, %arg13: memref<!tpu.dma_semaphore, #tpu.memory_space<semaphore_mem>>, %arg14: memref<!tpu.dma_semaphore, #tpu.memory_space<semaphore_mem>>, %arg15: memref<!tpu.dma_semaphore, #tpu.memory_space<semaphore_mem>>, %arg16: memref<!tpu.dma_semaphore, #tpu.memory_space<semaphore_mem>>) attributes {dimension_semantics = [#tpu.dimension_semantics<core_parallel>, #tpu.dimension_semantics<subcore_parallel>], iteration_bounds = array<i64: 2, 16>, scalar_prefetch = 0 : i64, scratch_operands = 9 : i64, tpu.core_type = #tpu.core_type<sc_vector_subcore>, window_params = [{transform_indices = #map}, {transform_indices = #map}, {transform_indices = #map1}, {transform_indices = #map1}, {transform_indices = #map2}, {transform_indices = #map2}]} {
    %mul3A = arith.constant 2 : i32
    %mul3A_0 = arith.muli %arg1, %mul3A : i32
    %add3A = arith.addi %mul3A_0, %arg0 : i32
    %shift_right_logical3A = arith.constant 1 : i32
    %shift_right_logical3A_1 = arith.shrui %add3A, %shift_right_logical3A : i32
    %and3A = arith.constant 1 : i32
    %and3A_2 = arith.andi %add3A, %and3A : i32
    %dma_start3A = arith.constant 0 : i32
    %dma_start3A_3 = tpu.memref_slice %arg8[%dma_start3A] : memref<100000xf32, #tpu.memory_space<vmem>> -> memref<100000xf32, #tpu.memory_space<vmem>>
    %dma_start3A_4 = arith.constant 0 : i32
    %dma_start3A_5 = tpu.memref_slice %arg4[%shift_right_logical3A_1, %dma_start3A_4] : memref<16x100000xf32, #tpu.memory_space<hbm>> -> memref<1x100000xf32, #tpu.memory_space<hbm>>
    %dma_start3A_6 = tpu.memref_squeeze %dma_start3A_5 : memref<1x100000xf32, #tpu.memory_space<hbm>> -> memref<100000xf32, #tpu.memory_space<hbm>>
    %dma_start3A_7 = arith.constant 0 : i32
    %dma_start3A_8 = tpu.memref_slice %arg8[%dma_start3A_7] : memref<100000xf32, #tpu.memory_space<vmem>> -> memref<100000xf32, #tpu.memory_space<vmem>>
    %dma_start3A_9 = arith.constant 0 : i32
    %dma_start3A_10 = tpu.memref_slice %arg4[%shift_right_logical3A_1, %dma_start3A_9] : memref<16x100000xf32, #tpu.memory_space<hbm>> -> memref<1x100000xf32, #tpu.memory_space<hbm>>
    %dma_start3A_11 = tpu.memref_squeeze %dma_start3A_10 : memref<1x100000xf32, #tpu.memory_space<hbm>> -> memref<100000xf32, #tpu.memory_space<hbm>>
    tpu.enqueue_dma source(%dma_start3A_11 : memref<100000xf32, #tpu.memory_space<hbm>>) target(%dma_start3A_8 : memref<100000xf32, #tpu.memory_space<vmem>>) target_semaphore(%arg13 : memref<!tpu.dma_semaphore, #tpu.memory_space<semaphore_mem>>)
    %mul3A_12 = arith.constant 8192 : i32
    %mul3A_13 = arith.muli %and3A_2, %mul3A_12 : i32
    %dma_start3A_14 = arith.constant 0 : i32
    %dma_start3A_15 = tpu.memref_slice %arg9[%dma_start3A_14] : memref<8192xi32, #tpu.memory_space<vmem>> -> memref<8192xi32, #tpu.memory_space<vmem>>
    %dma_start3A_16 = tpu.memref_slice %arg2[%mul3A_13] : memref<16384xi32, #tpu.memory_space<hbm>> -> memref<8192xi32, #tpu.memory_space<hbm>>
    %dma_start3A_17 = arith.constant 0 : i32
    %dma_start3A_18 = tpu.memref_slice %arg9[%dma_start3A_17] : memref<8192xi32, #tpu.memory_space<vmem>> -> memref<8192xi32, #tpu.memory_space<vmem>>
    %dma_start3A_19 = tpu.memref_slice %arg2[%mul3A_13] : memref<16384xi32, #tpu.memory_space<hbm>> -> memref<8192xi32, #tpu.memory_space<hbm>>
    tpu.enqueue_dma source(%dma_start3A_19 : memref<8192xi32, #tpu.memory_space<hbm>>) target(%dma_start3A_18 : memref<8192xi32, #tpu.memory_space<vmem>>) target_semaphore(%arg14 : memref<!tpu.dma_semaphore, #tpu.memory_space<semaphore_mem>>)
    %dma_start3A_20 = arith.constant 0 : i32
    %dma_start3A_21 = tpu.memref_slice %arg11[%dma_start3A_20] : memref<1000xf32, #tpu.memory_space<vmem>> -> memref<1000xf32, #tpu.memory_space<vmem>>
    %dma_start3A_22 = arith.constant 0 : i32
    %dma_start3A_23 = tpu.memref_slice %arg5[%shift_right_logical3A_1, %dma_start3A_22] : memref<16x1000xf32, #tpu.memory_space<hbm>> -> memref<1x1000xf32, #tpu.memory_space<hbm>>
    %dma_start3A_24 = tpu.memref_squeeze %dma_start3A_23 : memref<1x1000xf32, #tpu.memory_space<hbm>> -> memref<1000xf32, #tpu.memory_space<hbm>>
    %dma_start3A_25 = arith.constant 0 : i32
    %dma_start3A_26 = tpu.memref_slice %arg11[%dma_start3A_25] : memref<1000xf32, #tpu.memory_space<vmem>> -> memref<1000xf32, #tpu.memory_space<vmem>>
    %dma_start3A_27 = arith.constant 0 : i32
    %dma_start3A_28 = tpu.memref_slice %arg5[%shift_right_logical3A_1, %dma_start3A_27] : memref<16x1000xf32, #tpu.memory_space<hbm>> -> memref<1x1000xf32, #tpu.memory_space<hbm>>
    %dma_start3A_29 = tpu.memref_squeeze %dma_start3A_28 : memref<1x1000xf32, #tpu.memory_space<hbm>> -> memref<1000xf32, #tpu.memory_space<hbm>>
    tpu.enqueue_dma source(%dma_start3A_29 : memref<1000xf32, #tpu.memory_space<hbm>>) target(%dma_start3A_26 : memref<1000xf32, #tpu.memory_space<vmem>>) target_semaphore(%arg15 : memref<!tpu.dma_semaphore, #tpu.memory_space<semaphore_mem>>)
    %mul3A_30 = arith.constant 8192 : i32
    %mul3A_31 = arith.muli %and3A_2, %mul3A_30 : i32
    %dma_start3A_32 = arith.constant 0 : i32
    %dma_start3A_33 = tpu.memref_slice %arg12[%dma_start3A_32] : memref<8192xi32, #tpu.memory_space<vmem>> -> memref<8192xi32, #tpu.memory_space<vmem>>
    %dma_start3A_34 = tpu.memref_slice %arg3[%mul3A_31] : memref<16384xi32, #tpu.memory_space<hbm>> -> memref<8192xi32, #tpu.memory_space<hbm>>
    %dma_start3A_35 = arith.constant 0 : i32
    %dma_start3A_36 = tpu.memref_slice %arg12[%dma_start3A_35] : memref<8192xi32, #tpu.memory_space<vmem>> -> memref<8192xi32, #tpu.memory_space<vmem>>
    %dma_start3A_37 = tpu.memref_slice %arg3[%mul3A_31] : memref<16384xi32, #tpu.memory_space<hbm>> -> memref<8192xi32, #tpu.memory_space<hbm>>
    tpu.enqueue_dma source(%dma_start3A_37 : memref<8192xi32, #tpu.memory_space<hbm>>) target(%dma_start3A_36 : memref<8192xi32, #tpu.memory_space<vmem>>) target_semaphore(%arg16 : memref<!tpu.dma_semaphore, #tpu.memory_space<semaphore_mem>>)
    %dma_wait3A = arith.constant 0 : i32
    %dma_wait3A_38 = tpu.memref_slice %arg8[%dma_wait3A] : memref<100000xf32, #tpu.memory_space<vmem>> -> memref<100000xf32, #tpu.memory_space<vmem>>
    %dma_wait3A_39 = arith.constant 0 : i32
    %dma_wait3A_40 = tpu.memref_slice %arg4[%shift_right_logical3A_1, %dma_wait3A_39] : memref<16x100000xf32, #tpu.memory_space<hbm>> -> memref<1x100000xf32, #tpu.memory_space<hbm>>
    %dma_wait3A_41 = tpu.memref_squeeze %dma_wait3A_40 : memref<1x100000xf32, #tpu.memory_space<hbm>> -> memref<100000xf32, #tpu.memory_space<hbm>>
    %dma_wait3A_42 = arith.constant 0 : i32
    %dma_wait3A_43 = tpu.memref_slice %arg8[%dma_wait3A_42] : memref<100000xf32, #tpu.memory_space<vmem>> -> memref<100000xf32, #tpu.memory_space<vmem>>
    %dma_wait3A_44 = arith.constant 0 : i32
    %dma_wait3A_45 = tpu.memref_slice %arg4[%shift_right_logical3A_1, %dma_wait3A_44] : memref<16x100000xf32, #tpu.memory_space<hbm>> -> memref<1x100000xf32, #tpu.memory_space<hbm>>
    %dma_wait3A_46 = tpu.memref_squeeze %dma_wait3A_45 : memref<1x100000xf32, #tpu.memory_space<hbm>> -> memref<100000xf32, #tpu.memory_space<hbm>>
    tpu.wait_dma2 semaphore(%arg13 : memref<!tpu.dma_semaphore, #tpu.memory_space<semaphore_mem>>) src(%dma_wait3A_46 : memref<100000xf32, #tpu.memory_space<hbm>>) dst(%dma_wait3A_43 : memref<100000xf32, #tpu.memory_space<vmem>>)
    %dma_wait3A_47 = arith.constant 0 : i32
    %dma_wait3A_48 = tpu.memref_slice %arg9[%dma_wait3A_47] : memref<8192xi32, #tpu.memory_space<vmem>> -> memref<8192xi32, #tpu.memory_space<vmem>>
    %dma_wait3A_49 = tpu.memref_slice %arg2[%mul3A_13] : memref<16384xi32, #tpu.memory_space<hbm>> -> memref<8192xi32, #tpu.memory_space<hbm>>
    %dma_wait3A_50 = arith.constant 0 : i32
    %dma_wait3A_51 = tpu.memref_slice %arg9[%dma_wait3A_50] : memref<8192xi32, #tpu.memory_space<vmem>> -> memref<8192xi32, #tpu.memory_space<vmem>>
    %dma_wait3A_52 = tpu.memref_slice %arg2[%mul3A_13] : memref<16384xi32, #tpu.memory_space<hbm>> -> memref<8192xi32, #tpu.memory_space<hbm>>
    tpu.wait_dma2 semaphore(%arg14 : memref<!tpu.dma_semaphore, #tpu.memory_space<semaphore_mem>>) src(%dma_wait3A_52 : memref<8192xi32, #tpu.memory_space<hbm>>) dst(%dma_wait3A_51 : memref<8192xi32, #tpu.memory_space<vmem>>)
    %scan3A = arith.constant 0 : i32
    %scan3A_53 = arith.constant 0 : i32
    %scan3A_54 = arith.constant 64 : i32
    %scan3A_55 = arith.addi %scan3A_53, %scan3A_54 : i32
    %scan3A_56 = arith.constant 1 : i32
    %scan3A_57 = scf.for %scan3A_134 = %scan3A_53 to %scan3A_55 step %scan3A_56 iter_args(%scan3A_135 = %scan3A) -> (i32)  : i32 {
      %mul3A_136 = arith.constant 8 : i32
      %mul3A_137 = arith.muli %scan3A_134, %mul3A_136 : i32
      %add3A_138 = arith.constant 0 : i32
      %add3A_139 = arith.addi %mul3A_137, %add3A_138 : i32
      %mul3A_140 = arith.constant 16 : i32
      %mul3A_141 = arith.muli %add3A_139, %mul3A_140 : i32
      %get3A = arith.index_cast %mul3A_141 : i32 to index
      %get3A_142 = tpu.vector_load %arg9[%get3A] {strides = array<i32>} : memref<8192xi32, #tpu.memory_space<vmem>>, vector<16xi32>,
      %gather3A = tpu.vector_load_idx %arg8[%get3A_142] : memref<100000xf32, #tpu.memory_space<vmem>>[vector<16xi32>], vector<16xf32>,
      %swap3A = arith.index_cast %scan3A_134 : i32 to index
      %swap3A_143 = arith.constant 0 : index
      %swap3A_144 = tpu.vector_load %arg10[%swap3A, %swap3A_143] {strides = array<i32>} : memref<64x128xf32, #tpu.memory_space<vmem>>, vector<16xf32>,
      tpu.vector_store %arg10[%swap3A, %swap3A_143], %gather3A {strides = array<i32>} : memref<64x128xf32, #tpu.memory_space<vmem>>, vector<16xf32>,
      %mul3A_145 = arith.constant 8 : i32
      %mul3A_146 = arith.muli %scan3A_134, %mul3A_145 : i32
      %add3A_147 = arith.constant 1 : i32
      %add3A_148 = arith.addi %mul3A_146, %add3A_147 : i32
      %mul3A_149 = arith.constant 16 : i32
      %mul3A_150 = arith.muli %add3A_148, %mul3A_149 : i32
      %get3A_151 = arith.index_cast %mul3A_150 : i32 to index
      %get3A_152 = tpu.vector_load %arg9[%get3A_151] {strides = array<i32>} : memref<8192xi32, #tpu.memory_space<vmem>>, vector<16xi32>,
      %gather3A_153 = tpu.vector_load_idx %arg8[%get3A_152] : memref<100000xf32, #tpu.memory_space<vmem>>[vector<16xi32>], vector<16xf32>,
      %swap3A_154 = arith.index_cast %scan3A_134 : i32 to index
      %swap3A_155 = arith.constant 16 : index
      %swap3A_156 = tpu.vector_load %arg10[%swap3A_154, %swap3A_155] {strides = array<i32>} : memref<64x128xf32, #tpu.memory_space<vmem>>, vector<16xf32>,
      tpu.vector_store %arg10[%swap3A_154, %swap3A_155], %gather3A_153 {strides = array<i32>} : memref<64x128xf32, #tpu.memory_space<vmem>>, vector<16xf32>,
      %mul3A_157 = arith.constant 8 : i32
      %mul3A_158 = arith.muli %scan3A_134, %mul3A_157 : i32
      %add3A_159 = arith.constant 2 : i32
      %add3A_160 = arith.addi %mul3A_158, %add3A_159 : i32
      %mul3A_161 = arith.constant 16 : i32
      %mul3A_162 = arith.muli %add3A_160, %mul3A_161 : i32
      %get3A_163 = arith.index_cast %mul3A_162 : i32 to index
      %get3A_164 = tpu.vector_load %arg9[%get3A_163] {strides = array<i32>} : memref<8192xi32, #tpu.memory_space<vmem>>, vector<16xi32>,
      %gather3A_165 = tpu.vector_load_idx %arg8[%get3A_164] : memref<100000xf32, #tpu.memory_space<vmem>>[vector<16xi32>], vector<16xf32>,
      %swap3A_166 = arith.index_cast %scan3A_134 : i32 to index
      %swap3A_167 = arith.constant 32 : index
      %swap3A_168 = tpu.vector_load %arg10[%swap3A_166, %swap3A_167] {strides = array<i32>} : memref<64x128xf32, #tpu.memory_space<vmem>>, vector<16xf32>,
      tpu.vector_store %arg10[%swap3A_166, %swap3A_167], %gather3A_165 {strides = array<i32>} : memref<64x128xf32, #tpu.memory_space<vmem>>, vector<16xf32>,
      %mul3A_169 = arith.constant 8 : i32
      %mul3A_170 = arith.muli %scan3A_134, %mul3A_169 : i32
      %add3A_171 = arith.constant 3 : i32
      %add3A_172 = arith.addi %mul3A_170, %add3A_171 : i32
      %mul3A_173 = arith.constant 16 : i32
      %mul3A_174 = arith.muli %add3A_172, %mul3A_173 : i32
      %get3A_175 = arith.index_cast %mul3A_174 : i32 to index
      %get3A_176 = tpu.vector_load %arg9[%get3A_175] {strides = array<i32>} : memref<8192xi32, #tpu.memory_space<vmem>>, vector<16xi32>,
      %gather3A_177 = tpu.vector_load_idx %arg8[%get3A_176] : memref<100000xf32, #tpu.memory_space<vmem>>[vector<16xi32>], vector<16xf32>,
      %swap3A_178 = arith.index_cast %scan3A_134 : i32 to index
      %swap3A_179 = arith.constant 48 : index
      %swap3A_180 = tpu.vector_load %arg10[%swap3A_178, %swap3A_179] {strides = array<i32>} : memref<64x128xf32, #tpu.memory_space<vmem>>, vector<16xf32>,
      tpu.vector_store %arg10[%swap3A_178, %swap3A_179], %gather3A_177 {strides = array<i32>} : memref<64x128xf32, #tpu.memory_space<vmem>>, vector<16xf32>,
      %mul3A_181 = arith.constant 8 : i32
      %mul3A_182 = arith.muli %scan3A_134, %mul3A_181 : i32
      %add3A_183 = arith.constant 4 : i32
      %add3A_184 = arith.addi %mul3A_182, %add3A_183 : i32
      %mul3A_185 = arith.constant 16 : i32
      %mul3A_186 = arith.muli %add3A_184, %mul3A_185 : i32
      %get3A_187 = arith.index_cast %mul3A_186 : i32 to index
      %get3A_188 = tpu.vector_load %arg9[%get3A_187] {strides = array<i32>} : memref<8192xi32, #tpu.memory_space<vmem>>, vector<16xi32>,
      %gather3A_189 = tpu.vector_load_idx %arg8[%get3A_188] : memref<100000xf32, #tpu.memory_space<vmem>>[vector<16xi32>], vector<16xf32>,
      %swap3A_190 = arith.index_cast %scan3A_134 : i32 to index
      %swap3A_191 = arith.constant 64 : index
      %swap3A_192 = tpu.vector_load %arg10[%swap3A_190, %swap3A_191] {strides = array<i32>} : memref<64x128xf32, #tpu.memory_space<vmem>>, vector<16xf32>,
      tpu.vector_store %arg10[%swap3A_190, %swap3A_191], %gather3A_189 {strides = array<i32>} : memref<64x128xf32, #tpu.memory_space<vmem>>, vector<16xf32>,
      %mul3A_193 = arith.constant 8 : i32
      %mul3A_194 = arith.muli %scan3A_134, %mul3A_193 : i32
      %add3A_195 = arith.constant 5 : i32
      %add3A_196 = arith.addi %mul3A_194, %add3A_195 : i32
      %mul3A_197 = arith.constant 16 : i32
      %mul3A_198 = arith.muli %add3A_196, %mul3A_197 : i32
      %get3A_199 = arith.index_cast %mul3A_198 : i32 to index
      %get3A_200 = tpu.vector_load %arg9[%get3A_199] {strides = array<i32>} : memref<8192xi32, #tpu.memory_space<vmem>>, vector<16xi32>,
      %gather3A_201 = tpu.vector_load_idx %arg8[%get3A_200] : memref<100000xf32, #tpu.memory_space<vmem>>[vector<16xi32>], vector<16xf32>,
      %swap3A_202 = arith.index_cast %scan3A_134 : i32 to index
      %swap3A_203 = arith.constant 80 : index
      %swap3A_204 = tpu.vector_load %arg10[%swap3A_202, %swap3A_203] {strides = array<i32>} : memref<64x128xf32, #tpu.memory_space<vmem>>, vector<16xf32>,
      tpu.vector_store %arg10[%swap3A_202, %swap3A_203], %gather3A_201 {strides = array<i32>} : memref<64x128xf32, #tpu.memory_space<vmem>>, vector<16xf32>,
      %mul3A_205 = arith.constant 8 : i32
      %mul3A_206 = arith.muli %scan3A_134, %mul3A_205 : i32
      %add3A_207 = arith.constant 6 : i32
      %add3A_208 = arith.addi %mul3A_206, %add3A_207 : i32
      %mul3A_209 = arith.constant 16 : i32
      %mul3A_210 = arith.muli %add3A_208, %mul3A_209 : i32
      %get3A_211 = arith.index_cast %mul3A_210 : i32 to index
      %get3A_212 = tpu.vector_load %arg9[%get3A_211] {strides = array<i32>} : memref<8192xi32, #tpu.memory_space<vmem>>, vector<16xi32>,
      %gather3A_213 = tpu.vector_load_idx %arg8[%get3A_212] : memref<100000xf32, #tpu.memory_space<vmem>>[vector<16xi32>], vector<16xf32>,
      %swap3A_214 = arith.index_cast %scan3A_134 : i32 to index
      %swap3A_215 = arith.constant 96 : index
      %swap3A_216 = tpu.vector_load %arg10[%swap3A_214, %swap3A_215] {strides = array<i32>} : memref<64x128xf32, #tpu.memory_space<vmem>>, vector<16xf32>,
      tpu.vector_store %arg10[%swap3A_214, %swap3A_215], %gather3A_213 {strides = array<i32>} : memref<64x128xf32, #tpu.memory_space<vmem>>, vector<16xf32>,
      %mul3A_217 = arith.constant 8 : i32
      %mul3A_218 = arith.muli %scan3A_134, %mul3A_217 : i32
      %add3A_219 = arith.constant 7 : i32
      %add3A_220 = arith.addi %mul3A_218, %add3A_219 : i32
      %mul3A_221 = arith.constant 16 : i32
      %mul3A_222 = arith.muli %add3A_220, %mul3A_221 : i32
      %get3A_223 = arith.index_cast %mul3A_222 : i32 to index
      %get3A_224 = tpu.vector_load %arg9[%get3A_223] {strides = array<i32>} : memref<8192xi32, #tpu.memory_space<vmem>>, vector<16xi32>,
      %gather3A_225 = tpu.vector_load_idx %arg8[%get3A_224] : memref<100000xf32, #tpu.memory_space<vmem>>[vector<16xi32>], vector<16xf32>,
      %swap3A_226 = arith.index_cast %scan3A_134 : i32 to index
      %swap3A_227 = arith.constant 112 : index
      %swap3A_228 = tpu.vector_load %arg10[%swap3A_226, %swap3A_227] {strides = array<i32>} : memref<64x128xf32, #tpu.memory_space<vmem>>, vector<16xf32>,
      tpu.vector_store %arg10[%swap3A_226, %swap3A_227], %gather3A_225 {strides = array<i32>} : memref<64x128xf32, #tpu.memory_space<vmem>>, vector<16xf32>,
      %scan3A_229 = arith.constant 0 : i32
      scf.yield %scan3A_229 : i32
    }
    %scan3A_58 = arith.constant 64 : i32
    %mul3A_59 = arith.constant 64 : i32
    %mul3A_60 = arith.muli %and3A_2, %mul3A_59 : i32
    %dma_start3A_61 = arith.constant 0 : i32
    %dma_start3A_62 = arith.constant 0 : i32
    %dma_start3A_63 = tpu.memref_slice %arg10[%dma_start3A_61, %dma_start3A_62] : memref<64x128xf32, #tpu.memory_space<vmem>> -> memref<64x128xf32, #tpu.memory_space<vmem>>
    %dma_start3A_64 = arith.constant 0 : i32
    %dma_start3A_65 = tpu.memref_slice %arg6[%shift_right_logical3A_1, %mul3A_60, %dma_start3A_64] : memref<16x128x128xf32, #tpu.memory_space<hbm>> -> memref<1x64x128xf32, #tpu.memory_space<hbm>>
    %dma_start3A_66 = tpu.memref_squeeze %dma_start3A_65 : memref<1x64x128xf32, #tpu.memory_space<hbm>> -> memref<64x128xf32, #tpu.memory_space<hbm>>
    %dma_start3A_67 = arith.constant 0 : i32
    %dma_start3A_68 = tpu.memref_slice %arg6[%shift_right_logical3A_1, %mul3A_60, %dma_start3A_67] : memref<16x128x128xf32, #tpu.memory_space<hbm>> -> memref<1x64x128xf32, #tpu.memory_space<hbm>>
    %dma_start3A_69 = tpu.memref_squeeze %dma_start3A_68 : memref<1x64x128xf32, #tpu.memory_space<hbm>> -> memref<64x128xf32, #tpu.memory_space<hbm>>
    %dma_start3A_70 = arith.constant 0 : i32
    %dma_start3A_71 = arith.constant 0 : i32
    %dma_start3A_72 = tpu.memref_slice %arg10[%dma_start3A_70, %dma_start3A_71] : memref<64x128xf32, #tpu.memory_space<vmem>> -> memref<64x128xf32, #tpu.memory_space<vmem>>
    tpu.enqueue_dma source(%dma_start3A_72 : memref<64x128xf32, #tpu.memory_space<vmem>>) target(%dma_start3A_69 : memref<64x128xf32, #tpu.memory_space<hbm>>) target_semaphore(%arg13 : memref<!tpu.dma_semaphore, #tpu.memory_space<semaphore_mem>>)
    %dma_wait3A_73 = arith.constant 0 : i32
    %dma_wait3A_74 = arith.constant 0 : i32
    %dma_wait3A_75 = tpu.memref_slice %arg10[%dma_wait3A_73, %dma_wait3A_74] : memref<64x128xf32, #tpu.memory_space<vmem>> -> memref<64x128xf32, #tpu.memory_space<vmem>>
    %dma_wait3A_76 = arith.constant 0 : i32
    %dma_wait3A_77 = tpu.memref_slice %arg6[%shift_right_logical3A_1, %mul3A_60, %dma_wait3A_76] : memref<16x128x128xf32, #tpu.memory_space<hbm>> -> memref<1x64x128xf32, #tpu.memory_space<hbm>>
    %dma_wait3A_78 = tpu.memref_squeeze %dma_wait3A_77 : memref<1x64x128xf32, #tpu.memory_space<hbm>> -> memref<64x128xf32, #tpu.memory_space<hbm>>
    %dma_wait3A_79 = arith.constant 0 : i32
    %dma_wait3A_80 = tpu.memref_slice %arg6[%shift_right_logical3A_1, %mul3A_60, %dma_wait3A_79] : memref<16x128x128xf32, #tpu.memory_space<hbm>> -> memref<1x64x128xf32, #tpu.memory_space<hbm>>
    %dma_wait3A_81 = tpu.memref_squeeze %dma_wait3A_80 : memref<1x64x128xf32, #tpu.memory_space<hbm>> -> memref<64x128xf32, #tpu.memory_space<hbm>>
    %dma_wait3A_82 = arith.constant 0 : i32
    %dma_wait3A_83 = arith.constant 0 : i32
    %dma_wait3A_84 = tpu.memref_slice %arg10[%dma_wait3A_82, %dma_wait3A_83] : memref<64x128xf32, #tpu.memory_space<vmem>> -> memref<64x128xf32, #tpu.memory_space<vmem>>
    tpu.wait_dma2 semaphore(%arg13 : memref<!tpu.dma_semaphore, #tpu.memory_space<semaphore_mem>>) src(%dma_wait3A_84 : memref<64x128xf32, #tpu.memory_space<vmem>>) dst(%dma_wait3A_81 : memref<64x128xf32, #tpu.memory_space<hbm>>)
    %dma_wait3A_85 = arith.constant 0 : i32
    %dma_wait3A_86 = tpu.memref_slice %arg11[%dma_wait3A_85] : memref<1000xf32, #tpu.memory_space<vmem>> -> memref<1000xf32, #tpu.memory_space<vmem>>
    %dma_wait3A_87 = arith.constant 0 : i32
    %dma_wait3A_88 = tpu.memref_slice %arg5[%shift_right_logical3A_1, %dma_wait3A_87] : memref<16x1000xf32, #tpu.memory_space<hbm>> -> memref<1x1000xf32, #tpu.memory_space<hbm>>
    %dma_wait3A_89 = tpu.memref_squeeze %dma_wait3A_88 : memref<1x1000xf32, #tpu.memory_space<hbm>> -> memref<1000xf32, #tpu.memory_space<hbm>>
    %dma_wait3A_90 = arith.constant 0 : i32
    %dma_wait3A_91 = tpu.memref_slice %arg11[%dma_wait3A_90] : memref<1000xf32, #tpu.memory_space<vmem>> -> memref<1000xf32, #tpu.memory_space<vmem>>
    %dma_wait3A_92 = arith.constant 0 : i32
    %dma_wait3A_93 = tpu.memref_slice %arg5[%shift_right_logical3A_1, %dma_wait3A_92] : memref<16x1000xf32, #tpu.memory_space<hbm>> -> memref<1x1000xf32, #tpu.memory_space<hbm>>
    %dma_wait3A_94 = tpu.memref_squeeze %dma_wait3A_93 : memref<1x1000xf32, #tpu.memory_space<hbm>> -> memref<1000xf32, #tpu.memory_space<hbm>>
    tpu.wait_dma2 semaphore(%arg15 : memref<!tpu.dma_semaphore, #tpu.memory_space<semaphore_mem>>) src(%dma_wait3A_94 : memref<1000xf32, #tpu.memory_space<hbm>>) dst(%dma_wait3A_91 : memref<1000xf32, #tpu.memory_space<vmem>>)
    %dma_wait3A_95 = arith.constant 0 : i32
    %dma_wait3A_96 = tpu.memref_slice %arg12[%dma_wait3A_95] : memref<8192xi32, #tpu.memory_space<vmem>> -> memref<8192xi32, #tpu.memory_space<vmem>>
    %dma_wait3A_97 = tpu.memref_slice %arg3[%mul3A_31] : memref<16384xi32, #tpu.memory_space<hbm>> -> memref<8192xi32, #tpu.memory_space<hbm>>
    %dma_wait3A_98 = arith.constant 0 : i32
    %dma_wait3A_99 = tpu.memref_slice %arg12[%dma_wait3A_98] : memref<8192xi32, #tpu.memory_space<vmem>> -> memref<8192xi32, #tpu.memory_space<vmem>>
    %dma_wait3A_100 = tpu.memref_slice %arg3[%mul3A_31] : memref<16384xi32, #tpu.memory_space<hbm>> -> memref<8192xi32, #tpu.memory_space<hbm>>
    tpu.wait_dma2 semaphore(%arg16 : memref<!tpu.dma_semaphore, #tpu.memory_space<semaphore_mem>>) src(%dma_wait3A_100 : memref<8192xi32, #tpu.memory_space<hbm>>) dst(%dma_wait3A_99 : memref<8192xi32, #tpu.memory_space<vmem>>)
    %scan3A_101 = arith.constant 0 : i32
    %scan3A_102 = arith.constant 0 : i32
    %scan3A_103 = arith.constant 64 : i32
    %scan3A_104 = arith.addi %scan3A_102, %scan3A_103 : i32
    %scan3A_105 = arith.constant 1 : i32
    %scan3A_106 = scf.for %scan3A_134 = %scan3A_102 to %scan3A_104 step %scan3A_105 iter_args(%scan3A_135 = %scan3A_101) -> (i32)  : i32 {
      %mul3A_136 = arith.constant 8 : i32
      %mul3A_137 = arith.muli %scan3A_134, %mul3A_136 : i32
      %add3A_138 = arith.constant 0 : i32
      %add3A_139 = arith.addi %mul3A_137, %add3A_138 : i32
      %mul3A_140 = arith.constant 16 : i32
      %mul3A_141 = arith.muli %add3A_139, %mul3A_140 : i32
      %get3A = arith.index_cast %mul3A_141 : i32 to index
      %get3A_142 = tpu.vector_load %arg12[%get3A] {strides = array<i32>} : memref<8192xi32, #tpu.memory_space<vmem>>, vector<16xi32>,
      %gather3A = tpu.vector_load_idx %arg11[%get3A_142] : memref<1000xf32, #tpu.memory_space<vmem>>[vector<16xi32>], vector<16xf32>,
      %swap3A = arith.index_cast %scan3A_134 : i32 to index
      %swap3A_143 = arith.constant 0 : index
      %swap3A_144 = tpu.vector_load %arg10[%swap3A, %swap3A_143] {strides = array<i32>} : memref<64x128xf32, #tpu.memory_space<vmem>>, vector<16xf32>,
      tpu.vector_store %arg10[%swap3A, %swap3A_143], %gather3A {strides = array<i32>} : memref<64x128xf32, #tpu.memory_space<vmem>>, vector<16xf32>,
      %mul3A_145 = arith.constant 8 : i32
      %mul3A_146 = arith.muli %scan3A_134, %mul3A_145 : i32
      %add3A_147 = arith.constant 1 : i32
      %add3A_148 = arith.addi %mul3A_146, %add3A_147 : i32
      %mul3A_149 = arith.constant 16 : i32
      %mul3A_150 = arith.muli %add3A_148, %mul3A_149 : i32
      %get3A_151 = arith.index_cast %mul3A_150 : i32 to index
      %get3A_152 = tpu.vector_load %arg12[%get3A_151] {strides = array<i32>} : memref<8192xi32, #tpu.memory_space<vmem>>, vector<16xi32>,
      %gather3A_153 = tpu.vector_load_idx %arg11[%get3A_152] : memref<1000xf32, #tpu.memory_space<vmem>>[vector<16xi32>], vector<16xf32>,
      %swap3A_154 = arith.index_cast %scan3A_134 : i32 to index
      %swap3A_155 = arith.constant 16 : index
      %swap3A_156 = tpu.vector_load %arg10[%swap3A_154, %swap3A_155] {strides = array<i32>} : memref<64x128xf32, #tpu.memory_space<vmem>>, vector<16xf32>,
      tpu.vector_store %arg10[%swap3A_154, %swap3A_155], %gather3A_153 {strides = array<i32>} : memref<64x128xf32, #tpu.memory_space<vmem>>, vector<16xf32>,
      %mul3A_157 = arith.constant 8 : i32
      %mul3A_158 = arith.muli %scan3A_134, %mul3A_157 : i32
      %add3A_159 = arith.constant 2 : i32
      %add3A_160 = arith.addi %mul3A_158, %add3A_159 : i32
      %mul3A_161 = arith.constant 16 : i32
      %mul3A_162 = arith.muli %add3A_160, %mul3A_161 : i32
      %get3A_163 = arith.index_cast %mul3A_162 : i32 to index
      %get3A_164 = tpu.vector_load %arg12[%get3A_163] {strides = array<i32>} : memref<8192xi32, #tpu.memory_space<vmem>>, vector<16xi32>,
      %gather3A_165 = tpu.vector_load_idx %arg11[%get3A_164] : memref<1000xf32, #tpu.memory_space<vmem>>[vector<16xi32>], vector<16xf32>,
      %swap3A_166 = arith.index_cast %scan3A_134 : i32 to index
      %swap3A_167 = arith.constant 32 : index
      %swap3A_168 = tpu.vector_load %arg10[%swap3A_166, %swap3A_167] {strides = array<i32>} : memref<64x128xf32, #tpu.memory_space<vmem>>, vector<16xf32>,
      tpu.vector_store %arg10[%swap3A_166, %swap3A_167], %gather3A_165 {strides = array<i32>} : memref<64x128xf32, #tpu.memory_space<vmem>>, vector<16xf32>,
      %mul3A_169 = arith.constant 8 : i32
      %mul3A_170 = arith.muli %scan3A_134, %mul3A_169 : i32
      %add3A_171 = arith.constant 3 : i32
      %add3A_172 = arith.addi %mul3A_170, %add3A_171 : i32
      %mul3A_173 = arith.constant 16 : i32
      %mul3A_174 = arith.muli %add3A_172, %mul3A_173 : i32
      %get3A_175 = arith.index_cast %mul3A_174 : i32 to index
      %get3A_176 = tpu.vector_load %arg12[%get3A_175] {strides = array<i32>} : memref<8192xi32, #tpu.memory_space<vmem>>, vector<16xi32>,
      %gather3A_177 = tpu.vector_load_idx %arg11[%get3A_176] : memref<1000xf32, #tpu.memory_space<vmem>>[vector<16xi32>], vector<16xf32>,
      %swap3A_178 = arith.index_cast %scan3A_134 : i32 to index
      %swap3A_179 = arith.constant 48 : index
      %swap3A_180 = tpu.vector_load %arg10[%swap3A_178, %swap3A_179] {strides = array<i32>} : memref<64x128xf32, #tpu.memory_space<vmem>>, vector<16xf32>,
      tpu.vector_store %arg10[%swap3A_178, %swap3A_179], %gather3A_177 {strides = array<i32>} : memref<64x128xf32, #tpu.memory_space<vmem>>, vector<16xf32>,
      %mul3A_181 = arith.constant 8 : i32
      %mul3A_182 = arith.muli %scan3A_134, %mul3A_181 : i32
      %add3A_183 = arith.constant 4 : i32
      %add3A_184 = arith.addi %mul3A_182, %add3A_183 : i32
      %mul3A_185 = arith.constant 16 : i32
      %mul3A_186 = arith.muli %add3A_184, %mul3A_185 : i32
      %get3A_187 = arith.index_cast %mul3A_186 : i32 to index
      %get3A_188 = tpu.vector_load %arg12[%get3A_187] {strides = array<i32>} : memref<8192xi32, #tpu.memory_space<vmem>>, vector<16xi32>,
      %gather3A_189 = tpu.vector_load_idx %arg11[%get3A_188] : memref<1000xf32, #tpu.memory_space<vmem>>[vector<16xi32>], vector<16xf32>,
      %swap3A_190 = arith.index_cast %scan3A_134 : i32 to index
      %swap3A_191 = arith.constant 64 : index
      %swap3A_192 = tpu.vector_load %arg10[%swap3A_190, %swap3A_191] {strides = array<i32>} : memref<64x128xf32, #tpu.memory_space<vmem>>, vector<16xf32>,
      tpu.vector_store %arg10[%swap3A_190, %swap3A_191], %gather3A_189 {strides = array<i32>} : memref<64x128xf32, #tpu.memory_space<vmem>>, vector<16xf32>,
      %mul3A_193 = arith.constant 8 : i32
      %mul3A_194 = arith.muli %scan3A_134, %mul3A_193 : i32
      %add3A_195 = arith.constant 5 : i32
      %add3A_196 = arith.addi %mul3A_194, %add3A_195 : i32
      %mul3A_197 = arith.constant 16 : i32
      %mul3A_198 = arith.muli %add3A_196, %mul3A_197 : i32
      %get3A_199 = arith.index_cast %mul3A_198 : i32 to index
      %get3A_200 = tpu.vector_load %arg12[%get3A_199] {strides = array<i32>} : memref<8192xi32, #tpu.memory_space<vmem>>, vector<16xi32>,
      %gather3A_201 = tpu.vector_load_idx %arg11[%get3A_200] : memref<1000xf32, #tpu.memory_space<vmem>>[vector<16xi32>], vector<16xf32>,
      %swap3A_202 = arith.index_cast %scan3A_134 : i32 to index
      %swap3A_203 = arith.constant 80 : index
      %swap3A_204 = tpu.vector_load %arg10[%swap3A_202, %swap3A_203] {strides = array<i32>} : memref<64x128xf32, #tpu.memory_space<vmem>>, vector<16xf32>,
      tpu.vector_store %arg10[%swap3A_202, %swap3A_203], %gather3A_201 {strides = array<i32>} : memref<64x128xf32, #tpu.memory_space<vmem>>, vector<16xf32>,
      %mul3A_205 = arith.constant 8 : i32
      %mul3A_206 = arith.muli %scan3A_134, %mul3A_205 : i32
      %add3A_207 = arith.constant 6 : i32
      %add3A_208 = arith.addi %mul3A_206, %add3A_207 : i32
      %mul3A_209 = arith.constant 16 : i32
      %mul3A_210 = arith.muli %add3A_208, %mul3A_209 : i32
      %get3A_211 = arith.index_cast %mul3A_210 : i32 to index
      %get3A_212 = tpu.vector_load %arg12[%get3A_211] {strides = array<i32>} : memref<8192xi32, #tpu.memory_space<vmem>>, vector<16xi32>,
      %gather3A_213 = tpu.vector_load_idx %arg11[%get3A_212] : memref<1000xf32, #tpu.memory_space<vmem>>[vector<16xi32>], vector<16xf32>,
      %swap3A_214 = arith.index_cast %scan3A_134 : i32 to index
      %swap3A_215 = arith.constant 96 : index
      %swap3A_216 = tpu.vector_load %arg10[%swap3A_214, %swap3A_215] {strides = array<i32>} : memref<64x128xf32, #tpu.memory_space<vmem>>, vector<16xf32>,
      tpu.vector_store %arg10[%swap3A_214, %swap3A_215], %gather3A_213 {strides = array<i32>} : memref<64x128xf32, #tpu.memory_space<vmem>>, vector<16xf32>,
      %mul3A_217 = arith.constant 8 : i32
      %mul3A_218 = arith.muli %scan3A_134, %mul3A_217 : i32
      %add3A_219 = arith.constant 7 : i32
      %add3A_220 = arith.addi %mul3A_218, %add3A_219 : i32
      %mul3A_221 = arith.constant 16 : i32
      %mul3A_222 = arith.muli %add3A_220, %mul3A_221 : i32
      %get3A_223 = arith.index_cast %mul3A_222 : i32 to index
      %get3A_224 = tpu.vector_load %arg12[%get3A_223] {strides = array<i32>} : memref<8192xi32, #tpu.memory_space<vmem>>, vector<16xi32>,
      %gather3A_225 = tpu.vector_load_idx %arg11[%get3A_224] : memref<1000xf32, #tpu.memory_space<vmem>>[vector<16xi32>], vector<16xf32>,
      %swap3A_226 = arith.index_cast %scan3A_134 : i32 to index
      %swap3A_227 = arith.constant 112 : index
      %swap3A_228 = tpu.vector_load %arg10[%swap3A_226, %swap3A_227] {strides = array<i32>} : memref<64x128xf32, #tpu.memory_space<vmem>>, vector<16xf32>,
      tpu.vector_store %arg10[%swap3A_226, %swap3A_227], %gather3A_225 {strides = array<i32>} : memref<64x128xf32, #tpu.memory_space<vmem>>, vector<16xf32>,
      %scan3A_229 = arith.constant 0 : i32
      scf.yield %scan3A_229 : i32
    }
    %scan3A_107 = arith.constant 64 : i32
    %mul3A_108 = arith.constant 64 : i32
    %mul3A_109 = arith.muli %and3A_2, %mul3A_108 : i32
    %dma_start3A_110 = arith.constant 0 : i32
    %dma_start3A_111 = arith.constant 0 : i32
    %dma_start3A_112 = tpu.memref_slice %arg10[%dma_start3A_110, %dma_start3A_111] : memref<64x128xf32, #tpu.memory_space<vmem>> -> memref<64x128xf32, #tpu.memory_space<vmem>>
    %dma_start3A_113 = arith.constant 0 : i32
    %dma_start3A_114 = tpu.memref_slice %arg7[%shift_right_logical3A_1, %mul3A_109, %dma_start3A_113] : memref<16x128x128xf32, #tpu.memory_space<hbm>> -> memref<1x64x128xf32, #tpu.memory_space<hbm>>
    %dma_start3A_115 = tpu.memref_squeeze %dma_start3A_114 : memref<1x64x128xf32, #tpu.memory_space<hbm>> -> memref<64x128xf32, #tpu.memory_space<hbm>>
    %dma_start3A_116 = arith.constant 0 : i32
    %dma_start3A_117 = tpu.memref_slice %arg7[%shift_right_logical3A_1, %mul3A_109, %dma_start3A_116] : memref<16x128x128xf32, #tpu.memory_space<hbm>> -> memref<1x64x128xf32, #tpu.memory_space<hbm>>
    %dma_start3A_118 = tpu.memref_squeeze %dma_start3A_117 : memref<1x64x128xf32, #tpu.memory_space<hbm>> -> memref<64x128xf32, #tpu.memory_space<hbm>>
    %dma_start3A_119 = arith.constant 0 : i32
    %dma_start3A_120 = arith.constant 0 : i32
    %dma_start3A_121 = tpu.memref_slice %arg10[%dma_start3A_119, %dma_start3A_120] : memref<64x128xf32, #tpu.memory_space<vmem>> -> memref<64x128xf32, #tpu.memory_space<vmem>>
    tpu.enqueue_dma source(%dma_start3A_121 : memref<64x128xf32, #tpu.memory_space<vmem>>) target(%dma_start3A_118 : memref<64x128xf32, #tpu.memory_space<hbm>>) target_semaphore(%arg13 : memref<!tpu.dma_semaphore, #tpu.memory_space<semaphore_mem>>)
    %dma_wait3A_122 = arith.constant 0 : i32
    %dma_wait3A_123 = arith.constant 0 : i32
    %dma_wait3A_124 = tpu.memref_slice %arg10[%dma_wait3A_122, %dma_wait3A_123] : memref<64x128xf32, #tpu.memory_space<vmem>> -> memref<64x128xf32, #tpu.memory_space<vmem>>
    %dma_wait3A_125 = arith.constant 0 : i32
    %dma_wait3A_126 = tpu.memref_slice %arg7[%shift_right_logical3A_1, %mul3A_109, %dma_wait3A_125] : memref<16x128x128xf32, #tpu.memory_space<hbm>> -> memref<1x64x128xf32, #tpu.memory_space<hbm>>
    %dma_wait3A_127 = tpu.memref_squeeze %dma_wait3A_126 : memref<1x64x128xf32, #tpu.memory_space<hbm>> -> memref<64x128xf32, #tpu.memory_space<hbm>>
    %dma_wait3A_128 = arith.constant 0 : i32
    %dma_wait3A_129 = tpu.memref_slice %arg7[%shift_right_logical3A_1, %mul3A_109, %dma_wait3A_128] : memref<16x128x128xf32, #tpu.memory_space<hbm>> -> memref<1x64x128xf32, #tpu.memory_space<hbm>>
    %dma_wait3A_130 = tpu.memref_squeeze %dma_wait3A_129 : memref<1x64x128xf32, #tpu.memory_space<hbm>> -> memref<64x128xf32, #tpu.memory_space<hbm>>
    %dma_wait3A_131 = arith.constant 0 : i32
    %dma_wait3A_132 = arith.constant 0 : i32
    %dma_wait3A_133 = tpu.memref_slice %arg10[%dma_wait3A_131, %dma_wait3A_132] : memref<64x128xf32, #tpu.memory_space<vmem>> -> memref<64x128xf32, #tpu.memory_space<vmem>>
    tpu.wait_dma2 semaphore(%arg13 : memref<!tpu.dma_semaphore, #tpu.memory_space<semaphore_mem>>) src(%dma_wait3A_133 : memref<64x128xf32, #tpu.memory_space<vmem>>) dst(%dma_wait3A_130 : memref<64x128xf32, #tpu.memory_space<hbm>>)
    return
  }
}

#map = affine_map<(d0, d1) -> (0)>
#map1 = affine_map<(d0, d1) -> (0, 0)>
#map2 = affine_map<(d0, d1) -> (0, 0, 0)>
module attributes {stable_mosaic.version = 14 : i64} {
  func.func @_gather_big(%arg0: i32, %arg1: i32, %arg2: memref<16384xi32, #tpu.memory_space<hbm>>, %arg3: memref<16x100000xf32, #tpu.memory_space<hbm>>, %arg4: memref<16x128x128xf32, #tpu.memory_space<hbm>>, %arg5: memref<100000xf32, #tpu.memory_space<vmem>>, %arg6: memref<8192xi32, #tpu.memory_space<vmem>>, %arg7: memref<64x128xf32, #tpu.memory_space<vmem>>, %arg8: memref<!tpu.dma_semaphore, #tpu.memory_space<semaphore_mem>>, %arg9: memref<!tpu.dma_semaphore, #tpu.memory_space<semaphore_mem>>) attributes {dimension_semantics = [#tpu.dimension_semantics<core_parallel>, #tpu.dimension_semantics<subcore_parallel>], iteration_bounds = array<i64: 2, 16>, scalar_prefetch = 0 : i64, scratch_operands = 5 : i64, tpu.core_type = #tpu.core_type<sc_vector_subcore>, window_params = [{transform_indices = #map}, {transform_indices = #map1}, {transform_indices = #map2}]} {
    %mul3A = arith.constant 2 : i32
    %mul3A_0 = arith.muli %arg1, %mul3A : i32
    %add3A = arith.addi %mul3A_0, %arg0 : i32
    %shift_right_logical3A = arith.constant 1 : i32
    %shift_right_logical3A_1 = arith.shrui %add3A, %shift_right_logical3A : i32
    %and3A = arith.constant 1 : i32
    %and3A_2 = arith.andi %add3A, %and3A : i32
    %dma_start3A = arith.constant 0 : i32
    %dma_start3A_3 = tpu.memref_slice %arg5[%dma_start3A] : memref<100000xf32, #tpu.memory_space<vmem>> -> memref<100000xf32, #tpu.memory_space<vmem>>
    %dma_start3A_4 = arith.constant 0 : i32
    %dma_start3A_5 = tpu.memref_slice %arg3[%shift_right_logical3A_1, %dma_start3A_4] : memref<16x100000xf32, #tpu.memory_space<hbm>> -> memref<1x100000xf32, #tpu.memory_space<hbm>>
    %dma_start3A_6 = tpu.memref_squeeze %dma_start3A_5 : memref<1x100000xf32, #tpu.memory_space<hbm>> -> memref<100000xf32, #tpu.memory_space<hbm>>
    %dma_start3A_7 = arith.constant 0 : i32
    %dma_start3A_8 = tpu.memref_slice %arg5[%dma_start3A_7] : memref<100000xf32, #tpu.memory_space<vmem>> -> memref<100000xf32, #tpu.memory_space<vmem>>
    %dma_start3A_9 = arith.constant 0 : i32
    %dma_start3A_10 = tpu.memref_slice %arg3[%shift_right_logical3A_1, %dma_start3A_9] : memref<16x100000xf32, #tpu.memory_space<hbm>> -> memref<1x100000xf32, #tpu.memory_space<hbm>>
    %dma_start3A_11 = tpu.memref_squeeze %dma_start3A_10 : memref<1x100000xf32, #tpu.memory_space<hbm>> -> memref<100000xf32, #tpu.memory_space<hbm>>
    tpu.enqueue_dma source(%dma_start3A_11 : memref<100000xf32, #tpu.memory_space<hbm>>) target(%dma_start3A_8 : memref<100000xf32, #tpu.memory_space<vmem>>) target_semaphore(%arg8 : memref<!tpu.dma_semaphore, #tpu.memory_space<semaphore_mem>>)
    %mul3A_12 = arith.constant 8192 : i32
    %mul3A_13 = arith.muli %and3A_2, %mul3A_12 : i32
    %dma_start3A_14 = arith.constant 0 : i32
    %dma_start3A_15 = tpu.memref_slice %arg6[%dma_start3A_14] : memref<8192xi32, #tpu.memory_space<vmem>> -> memref<8192xi32, #tpu.memory_space<vmem>>
    %dma_start3A_16 = tpu.memref_slice %arg2[%mul3A_13] : memref<16384xi32, #tpu.memory_space<hbm>> -> memref<8192xi32, #tpu.memory_space<hbm>>
    %dma_start3A_17 = arith.constant 0 : i32
    %dma_start3A_18 = tpu.memref_slice %arg6[%dma_start3A_17] : memref<8192xi32, #tpu.memory_space<vmem>> -> memref<8192xi32, #tpu.memory_space<vmem>>
    %dma_start3A_19 = tpu.memref_slice %arg2[%mul3A_13] : memref<16384xi32, #tpu.memory_space<hbm>> -> memref<8192xi32, #tpu.memory_space<hbm>>
    tpu.enqueue_dma source(%dma_start3A_19 : memref<8192xi32, #tpu.memory_space<hbm>>) target(%dma_start3A_18 : memref<8192xi32, #tpu.memory_space<vmem>>) target_semaphore(%arg9 : memref<!tpu.dma_semaphore, #tpu.memory_space<semaphore_mem>>)
    %dma_wait3A = arith.constant 0 : i32
    %dma_wait3A_20 = tpu.memref_slice %arg5[%dma_wait3A] : memref<100000xf32, #tpu.memory_space<vmem>> -> memref<100000xf32, #tpu.memory_space<vmem>>
    %dma_wait3A_21 = arith.constant 0 : i32
    %dma_wait3A_22 = tpu.memref_slice %arg3[%shift_right_logical3A_1, %dma_wait3A_21] : memref<16x100000xf32, #tpu.memory_space<hbm>> -> memref<1x100000xf32, #tpu.memory_space<hbm>>
    %dma_wait3A_23 = tpu.memref_squeeze %dma_wait3A_22 : memref<1x100000xf32, #tpu.memory_space<hbm>> -> memref<100000xf32, #tpu.memory_space<hbm>>
    %dma_wait3A_24 = arith.constant 0 : i32
    %dma_wait3A_25 = tpu.memref_slice %arg5[%dma_wait3A_24] : memref<100000xf32, #tpu.memory_space<vmem>> -> memref<100000xf32, #tpu.memory_space<vmem>>
    %dma_wait3A_26 = arith.constant 0 : i32
    %dma_wait3A_27 = tpu.memref_slice %arg3[%shift_right_logical3A_1, %dma_wait3A_26] : memref<16x100000xf32, #tpu.memory_space<hbm>> -> memref<1x100000xf32, #tpu.memory_space<hbm>>
    %dma_wait3A_28 = tpu.memref_squeeze %dma_wait3A_27 : memref<1x100000xf32, #tpu.memory_space<hbm>> -> memref<100000xf32, #tpu.memory_space<hbm>>
    tpu.wait_dma2 semaphore(%arg8 : memref<!tpu.dma_semaphore, #tpu.memory_space<semaphore_mem>>) src(%dma_wait3A_28 : memref<100000xf32, #tpu.memory_space<hbm>>) dst(%dma_wait3A_25 : memref<100000xf32, #tpu.memory_space<vmem>>)
    %dma_wait3A_29 = arith.constant 0 : i32
    %dma_wait3A_30 = tpu.memref_slice %arg6[%dma_wait3A_29] : memref<8192xi32, #tpu.memory_space<vmem>> -> memref<8192xi32, #tpu.memory_space<vmem>>
    %dma_wait3A_31 = tpu.memref_slice %arg2[%mul3A_13] : memref<16384xi32, #tpu.memory_space<hbm>> -> memref<8192xi32, #tpu.memory_space<hbm>>
    %dma_wait3A_32 = arith.constant 0 : i32
    %dma_wait3A_33 = tpu.memref_slice %arg6[%dma_wait3A_32] : memref<8192xi32, #tpu.memory_space<vmem>> -> memref<8192xi32, #tpu.memory_space<vmem>>
    %dma_wait3A_34 = tpu.memref_slice %arg2[%mul3A_13] : memref<16384xi32, #tpu.memory_space<hbm>> -> memref<8192xi32, #tpu.memory_space<hbm>>
    tpu.wait_dma2 semaphore(%arg9 : memref<!tpu.dma_semaphore, #tpu.memory_space<semaphore_mem>>) src(%dma_wait3A_34 : memref<8192xi32, #tpu.memory_space<hbm>>) dst(%dma_wait3A_33 : memref<8192xi32, #tpu.memory_space<vmem>>)
    %scan3A = arith.constant 0 : i32
    %scan3A_35 = arith.constant 0 : i32
    %scan3A_36 = arith.constant 64 : i32
    %scan3A_37 = arith.addi %scan3A_35, %scan3A_36 : i32
    %scan3A_38 = arith.constant 1 : i32
    %scan3A_39 = scf.for %scan3A_67 = %scan3A_35 to %scan3A_37 step %scan3A_38 iter_args(%scan3A_68 = %scan3A) -> (i32)  : i32 {
      %mul3A_69 = arith.constant 8 : i32
      %mul3A_70 = arith.muli %scan3A_67, %mul3A_69 : i32
      %add3A_71 = arith.constant 0 : i32
      %add3A_72 = arith.addi %mul3A_70, %add3A_71 : i32
      %mul3A_73 = arith.constant 16 : i32
      %mul3A_74 = arith.muli %add3A_72, %mul3A_73 : i32
      %get3A = arith.index_cast %mul3A_74 : i32 to index
      %get3A_75 = tpu.vector_load %arg6[%get3A] {strides = array<i32>} : memref<8192xi32, #tpu.memory_space<vmem>>, vector<16xi32>,
      %gather3A = tpu.vector_load_idx %arg5[%get3A_75] : memref<100000xf32, #tpu.memory_space<vmem>>[vector<16xi32>], vector<16xf32>,
      %swap3A = arith.index_cast %scan3A_67 : i32 to index
      %swap3A_76 = arith.constant 0 : index
      %swap3A_77 = tpu.vector_load %arg7[%swap3A, %swap3A_76] {strides = array<i32>} : memref<64x128xf32, #tpu.memory_space<vmem>>, vector<16xf32>,
      tpu.vector_store %arg7[%swap3A, %swap3A_76], %gather3A {strides = array<i32>} : memref<64x128xf32, #tpu.memory_space<vmem>>, vector<16xf32>,
      %mul3A_78 = arith.constant 8 : i32
      %mul3A_79 = arith.muli %scan3A_67, %mul3A_78 : i32
      %add3A_80 = arith.constant 1 : i32
      %add3A_81 = arith.addi %mul3A_79, %add3A_80 : i32
      %mul3A_82 = arith.constant 16 : i32
      %mul3A_83 = arith.muli %add3A_81, %mul3A_82 : i32
      %get3A_84 = arith.index_cast %mul3A_83 : i32 to index
      %get3A_85 = tpu.vector_load %arg6[%get3A_84] {strides = array<i32>} : memref<8192xi32, #tpu.memory_space<vmem>>, vector<16xi32>,
      %gather3A_86 = tpu.vector_load_idx %arg5[%get3A_85] : memref<100000xf32, #tpu.memory_space<vmem>>[vector<16xi32>], vector<16xf32>,
      %swap3A_87 = arith.index_cast %scan3A_67 : i32 to index
      %swap3A_88 = arith.constant 16 : index
      %swap3A_89 = tpu.vector_load %arg7[%swap3A_87, %swap3A_88] {strides = array<i32>} : memref<64x128xf32, #tpu.memory_space<vmem>>, vector<16xf32>,
      tpu.vector_store %arg7[%swap3A_87, %swap3A_88], %gather3A_86 {strides = array<i32>} : memref<64x128xf32, #tpu.memory_space<vmem>>, vector<16xf32>,
      %mul3A_90 = arith.constant 8 : i32
      %mul3A_91 = arith.muli %scan3A_67, %mul3A_90 : i32
      %add3A_92 = arith.constant 2 : i32
      %add3A_93 = arith.addi %mul3A_91, %add3A_92 : i32
      %mul3A_94 = arith.constant 16 : i32
      %mul3A_95 = arith.muli %add3A_93, %mul3A_94 : i32
      %get3A_96 = arith.index_cast %mul3A_95 : i32 to index
      %get3A_97 = tpu.vector_load %arg6[%get3A_96] {strides = array<i32>} : memref<8192xi32, #tpu.memory_space<vmem>>, vector<16xi32>,
      %gather3A_98 = tpu.vector_load_idx %arg5[%get3A_97] : memref<100000xf32, #tpu.memory_space<vmem>>[vector<16xi32>], vector<16xf32>,
      %swap3A_99 = arith.index_cast %scan3A_67 : i32 to index
      %swap3A_100 = arith.constant 32 : index
      %swap3A_101 = tpu.vector_load %arg7[%swap3A_99, %swap3A_100] {strides = array<i32>} : memref<64x128xf32, #tpu.memory_space<vmem>>, vector<16xf32>,
      tpu.vector_store %arg7[%swap3A_99, %swap3A_100], %gather3A_98 {strides = array<i32>} : memref<64x128xf32, #tpu.memory_space<vmem>>, vector<16xf32>,
      %mul3A_102 = arith.constant 8 : i32
      %mul3A_103 = arith.muli %scan3A_67, %mul3A_102 : i32
      %add3A_104 = arith.constant 3 : i32
      %add3A_105 = arith.addi %mul3A_103, %add3A_104 : i32
      %mul3A_106 = arith.constant 16 : i32
      %mul3A_107 = arith.muli %add3A_105, %mul3A_106 : i32
      %get3A_108 = arith.index_cast %mul3A_107 : i32 to index
      %get3A_109 = tpu.vector_load %arg6[%get3A_108] {strides = array<i32>} : memref<8192xi32, #tpu.memory_space<vmem>>, vector<16xi32>,
      %gather3A_110 = tpu.vector_load_idx %arg5[%get3A_109] : memref<100000xf32, #tpu.memory_space<vmem>>[vector<16xi32>], vector<16xf32>,
      %swap3A_111 = arith.index_cast %scan3A_67 : i32 to index
      %swap3A_112 = arith.constant 48 : index
      %swap3A_113 = tpu.vector_load %arg7[%swap3A_111, %swap3A_112] {strides = array<i32>} : memref<64x128xf32, #tpu.memory_space<vmem>>, vector<16xf32>,
      tpu.vector_store %arg7[%swap3A_111, %swap3A_112], %gather3A_110 {strides = array<i32>} : memref<64x128xf32, #tpu.memory_space<vmem>>, vector<16xf32>,
      %mul3A_114 = arith.constant 8 : i32
      %mul3A_115 = arith.muli %scan3A_67, %mul3A_114 : i32
      %add3A_116 = arith.constant 4 : i32
      %add3A_117 = arith.addi %mul3A_115, %add3A_116 : i32
      %mul3A_118 = arith.constant 16 : i32
      %mul3A_119 = arith.muli %add3A_117, %mul3A_118 : i32
      %get3A_120 = arith.index_cast %mul3A_119 : i32 to index
      %get3A_121 = tpu.vector_load %arg6[%get3A_120] {strides = array<i32>} : memref<8192xi32, #tpu.memory_space<vmem>>, vector<16xi32>,
      %gather3A_122 = tpu.vector_load_idx %arg5[%get3A_121] : memref<100000xf32, #tpu.memory_space<vmem>>[vector<16xi32>], vector<16xf32>,
      %swap3A_123 = arith.index_cast %scan3A_67 : i32 to index
      %swap3A_124 = arith.constant 64 : index
      %swap3A_125 = tpu.vector_load %arg7[%swap3A_123, %swap3A_124] {strides = array<i32>} : memref<64x128xf32, #tpu.memory_space<vmem>>, vector<16xf32>,
      tpu.vector_store %arg7[%swap3A_123, %swap3A_124], %gather3A_122 {strides = array<i32>} : memref<64x128xf32, #tpu.memory_space<vmem>>, vector<16xf32>,
      %mul3A_126 = arith.constant 8 : i32
      %mul3A_127 = arith.muli %scan3A_67, %mul3A_126 : i32
      %add3A_128 = arith.constant 5 : i32
      %add3A_129 = arith.addi %mul3A_127, %add3A_128 : i32
      %mul3A_130 = arith.constant 16 : i32
      %mul3A_131 = arith.muli %add3A_129, %mul3A_130 : i32
      %get3A_132 = arith.index_cast %mul3A_131 : i32 to index
      %get3A_133 = tpu.vector_load %arg6[%get3A_132] {strides = array<i32>} : memref<8192xi32, #tpu.memory_space<vmem>>, vector<16xi32>,
      %gather3A_134 = tpu.vector_load_idx %arg5[%get3A_133] : memref<100000xf32, #tpu.memory_space<vmem>>[vector<16xi32>], vector<16xf32>,
      %swap3A_135 = arith.index_cast %scan3A_67 : i32 to index
      %swap3A_136 = arith.constant 80 : index
      %swap3A_137 = tpu.vector_load %arg7[%swap3A_135, %swap3A_136] {strides = array<i32>} : memref<64x128xf32, #tpu.memory_space<vmem>>, vector<16xf32>,
      tpu.vector_store %arg7[%swap3A_135, %swap3A_136], %gather3A_134 {strides = array<i32>} : memref<64x128xf32, #tpu.memory_space<vmem>>, vector<16xf32>,
      %mul3A_138 = arith.constant 8 : i32
      %mul3A_139 = arith.muli %scan3A_67, %mul3A_138 : i32
      %add3A_140 = arith.constant 6 : i32
      %add3A_141 = arith.addi %mul3A_139, %add3A_140 : i32
      %mul3A_142 = arith.constant 16 : i32
      %mul3A_143 = arith.muli %add3A_141, %mul3A_142 : i32
      %get3A_144 = arith.index_cast %mul3A_143 : i32 to index
      %get3A_145 = tpu.vector_load %arg6[%get3A_144] {strides = array<i32>} : memref<8192xi32, #tpu.memory_space<vmem>>, vector<16xi32>,
      %gather3A_146 = tpu.vector_load_idx %arg5[%get3A_145] : memref<100000xf32, #tpu.memory_space<vmem>>[vector<16xi32>], vector<16xf32>,
      %swap3A_147 = arith.index_cast %scan3A_67 : i32 to index
      %swap3A_148 = arith.constant 96 : index
      %swap3A_149 = tpu.vector_load %arg7[%swap3A_147, %swap3A_148] {strides = array<i32>} : memref<64x128xf32, #tpu.memory_space<vmem>>, vector<16xf32>,
      tpu.vector_store %arg7[%swap3A_147, %swap3A_148], %gather3A_146 {strides = array<i32>} : memref<64x128xf32, #tpu.memory_space<vmem>>, vector<16xf32>,
      %mul3A_150 = arith.constant 8 : i32
      %mul3A_151 = arith.muli %scan3A_67, %mul3A_150 : i32
      %add3A_152 = arith.constant 7 : i32
      %add3A_153 = arith.addi %mul3A_151, %add3A_152 : i32
      %mul3A_154 = arith.constant 16 : i32
      %mul3A_155 = arith.muli %add3A_153, %mul3A_154 : i32
      %get3A_156 = arith.index_cast %mul3A_155 : i32 to index
      %get3A_157 = tpu.vector_load %arg6[%get3A_156] {strides = array<i32>} : memref<8192xi32, #tpu.memory_space<vmem>>, vector<16xi32>,
      %gather3A_158 = tpu.vector_load_idx %arg5[%get3A_157] : memref<100000xf32, #tpu.memory_space<vmem>>[vector<16xi32>], vector<16xf32>,
      %swap3A_159 = arith.index_cast %scan3A_67 : i32 to index
      %swap3A_160 = arith.constant 112 : index
      %swap3A_161 = tpu.vector_load %arg7[%swap3A_159, %swap3A_160] {strides = array<i32>} : memref<64x128xf32, #tpu.memory_space<vmem>>, vector<16xf32>,
      tpu.vector_store %arg7[%swap3A_159, %swap3A_160], %gather3A_158 {strides = array<i32>} : memref<64x128xf32, #tpu.memory_space<vmem>>, vector<16xf32>,
      %scan3A_162 = arith.constant 0 : i32
      scf.yield %scan3A_162 : i32
    }
    %scan3A_40 = arith.constant 64 : i32
    %mul3A_41 = arith.constant 64 : i32
    %mul3A_42 = arith.muli %and3A_2, %mul3A_41 : i32
    %dma_start3A_43 = arith.constant 0 : i32
    %dma_start3A_44 = arith.constant 0 : i32
    %dma_start3A_45 = tpu.memref_slice %arg7[%dma_start3A_43, %dma_start3A_44] : memref<64x128xf32, #tpu.memory_space<vmem>> -> memref<64x128xf32, #tpu.memory_space<vmem>>
    %dma_start3A_46 = arith.constant 0 : i32
    %dma_start3A_47 = tpu.memref_slice %arg4[%shift_right_logical3A_1, %mul3A_42, %dma_start3A_46] : memref<16x128x128xf32, #tpu.memory_space<hbm>> -> memref<1x64x128xf32, #tpu.memory_space<hbm>>
    %dma_start3A_48 = tpu.memref_squeeze %dma_start3A_47 : memref<1x64x128xf32, #tpu.memory_space<hbm>> -> memref<64x128xf32, #tpu.memory_space<hbm>>
    %dma_start3A_49 = arith.constant 0 : i32
    %dma_start3A_50 = tpu.memref_slice %arg4[%shift_right_logical3A_1, %mul3A_42, %dma_start3A_49] : memref<16x128x128xf32, #tpu.memory_space<hbm>> -> memref<1x64x128xf32, #tpu.memory_space<hbm>>
    %dma_start3A_51 = tpu.memref_squeeze %dma_start3A_50 : memref<1x64x128xf32, #tpu.memory_space<hbm>> -> memref<64x128xf32, #tpu.memory_space<hbm>>
    %dma_start3A_52 = arith.constant 0 : i32
    %dma_start3A_53 = arith.constant 0 : i32
    %dma_start3A_54 = tpu.memref_slice %arg7[%dma_start3A_52, %dma_start3A_53] : memref<64x128xf32, #tpu.memory_space<vmem>> -> memref<64x128xf32, #tpu.memory_space<vmem>>
    tpu.enqueue_dma source(%dma_start3A_54 : memref<64x128xf32, #tpu.memory_space<vmem>>) target(%dma_start3A_51 : memref<64x128xf32, #tpu.memory_space<hbm>>) target_semaphore(%arg8 : memref<!tpu.dma_semaphore, #tpu.memory_space<semaphore_mem>>)
    %dma_wait3A_55 = arith.constant 0 : i32
    %dma_wait3A_56 = arith.constant 0 : i32
    %dma_wait3A_57 = tpu.memref_slice %arg7[%dma_wait3A_55, %dma_wait3A_56] : memref<64x128xf32, #tpu.memory_space<vmem>> -> memref<64x128xf32, #tpu.memory_space<vmem>>
    %dma_wait3A_58 = arith.constant 0 : i32
    %dma_wait3A_59 = tpu.memref_slice %arg4[%shift_right_logical3A_1, %mul3A_42, %dma_wait3A_58] : memref<16x128x128xf32, #tpu.memory_space<hbm>> -> memref<1x64x128xf32, #tpu.memory_space<hbm>>
    %dma_wait3A_60 = tpu.memref_squeeze %dma_wait3A_59 : memref<1x64x128xf32, #tpu.memory_space<hbm>> -> memref<64x128xf32, #tpu.memory_space<hbm>>
    %dma_wait3A_61 = arith.constant 0 : i32
    %dma_wait3A_62 = tpu.memref_slice %arg4[%shift_right_logical3A_1, %mul3A_42, %dma_wait3A_61] : memref<16x128x128xf32, #tpu.memory_space<hbm>> -> memref<1x64x128xf32, #tpu.memory_space<hbm>>
    %dma_wait3A_63 = tpu.memref_squeeze %dma_wait3A_62 : memref<1x64x128xf32, #tpu.memory_space<hbm>> -> memref<64x128xf32, #tpu.memory_space<hbm>>
    %dma_wait3A_64 = arith.constant 0 : i32
    %dma_wait3A_65 = arith.constant 0 : i32
    %dma_wait3A_66 = tpu.memref_slice %arg7[%dma_wait3A_64, %dma_wait3A_65] : memref<64x128xf32, #tpu.memory_space<vmem>> -> memref<64x128xf32, #tpu.memory_space<vmem>>
    tpu.wait_dma2 semaphore(%arg8 : memref<!tpu.dma_semaphore, #tpu.memory_space<semaphore_mem>>) src(%dma_wait3A_66 : memref<64x128xf32, #tpu.memory_space<vmem>>) dst(%dma_wait3A_63 : memref<64x128xf32, #tpu.memory_space<hbm>>)
    return
  }
}

module attributes {stable_mosaic.version = 14 : i64} {
  func.func @_mlp_body(%arg0: i32, %arg1: memref<16x128x128xf32, #tpu.memory_space<vmem>>, %arg2: memref<16x128x128xf32, #tpu.memory_space<vmem>>, %arg3: memref<16x128x128xf32, #tpu.memory_space<vmem>>, %arg4: memref<16x128x128xf32, #tpu.memory_space<vmem>>, %arg5: memref<64x64xf32, #tpu.memory_space<vmem>>, %arg6: memref<64x1xf32, #tpu.memory_space<vmem>>, %arg7: memref<64x32xf32, #tpu.memory_space<vmem>>, %arg8: memref<32x1xf32, #tpu.memory_space<vmem>>, %arg9: memref<32x1xf32, #tpu.memory_space<vmem>>, %arg10: memref<1x1xf32, #tpu.memory_space<vmem>>, %arg11: memref<16384xf32, #tpu.memory_space<vmem>>) attributes {dimension_semantics = [#tpu.dimension_semantics<arbitrary>], iteration_bounds = array<i64: 1>, scalar_prefetch = 0 : i64, scratch_operands = 0 : i64, tpu.core_type = #tpu.core_type<tc>, window_params = [{transform_indices = @transform_0, window_bounds = array<i64: 16, 128, 128>}, {transform_indices = @transform_1, window_bounds = array<i64: 16, 128, 128>}, {transform_indices = @transform_2, window_bounds = array<i64: 16, 128, 128>}, {transform_indices = @transform_3, window_bounds = array<i64: 16, 128, 128>}, {pipeline_mode = #tpu.pipeline_mode<synchronous>, transform_indices = @transform_4, window_bounds = array<i64: 64, 64>}, {pipeline_mode = #tpu.pipeline_mode<synchronous>, transform_indices = @transform_5, window_bounds = array<i64: 64, 1>}, {pipeline_mode = #tpu.pipeline_mode<synchronous>, transform_indices = @transform_6, window_bounds = array<i64: 64, 32>}, {pipeline_mode = #tpu.pipeline_mode<synchronous>, transform_indices = @transform_7, window_bounds = array<i64: 32, 1>}, {pipeline_mode = #tpu.pipeline_mode<synchronous>, transform_indices = @transform_8, window_bounds = array<i64: 32, 1>}, {pipeline_mode = #tpu.pipeline_mode<synchronous>, transform_indices = @transform_9, window_bounds = array<i64: 1, 1>}, {transform_indices = @transform_10, window_bounds = array<i64: 16384>}]} {
    %get3A = arith.constant 0 : index
    %get3A_0 = arith.constant 0 : index
    %get3A_1 = arith.constant 0 : index
    %get3A_2 = vector.load %arg1[%get3A, %get3A_0, %get3A_1] : memref<16x128x128xf32, #tpu.memory_space<vmem>>, vector<16x128x128xf32>
    %reshape3A = vector.shape_cast %get3A_2 : vector<16x128x128xf32> to vector<16x16384xf32>
    %get3A_3 = arith.constant 0 : index
    %get3A_4 = arith.constant 0 : index
    %get3A_5 = arith.constant 0 : index
    %get3A_6 = vector.load %arg2[%get3A_3, %get3A_4, %get3A_5] : memref<16x128x128xf32, #tpu.memory_space<vmem>>, vector<16x128x128xf32>
    %reshape3A_7 = vector.shape_cast %get3A_6 : vector<16x128x128xf32> to vector<16x16384xf32>
    %get3A_8 = arith.constant 0 : index
    %get3A_9 = arith.constant 0 : index
    %get3A_10 = arith.constant 0 : index
    %get3A_11 = vector.load %arg3[%get3A_8, %get3A_9, %get3A_10] : memref<16x128x128xf32, #tpu.memory_space<vmem>>, vector<16x128x128xf32>
    %reshape3A_12 = vector.shape_cast %get3A_11 : vector<16x128x128xf32> to vector<16x16384xf32>
    %get3A_13 = arith.constant 0 : index
    %get3A_14 = arith.constant 0 : index
    %get3A_15 = arith.constant 0 : index
    %get3A_16 = vector.load %arg4[%get3A_13, %get3A_14, %get3A_15] : memref<16x128x128xf32, #tpu.memory_space<vmem>>, vector<16x128x128xf32>
    %reshape3A_17 = vector.shape_cast %get3A_16 : vector<16x128x128xf32> to vector<16x16384xf32>
    %concatenate3A = tpu.concatenate %reshape3A, %reshape3A_7, %reshape3A_12, %reshape3A_17 in 0 : vector<16x16384xf32>, vector<16x16384xf32>, vector<16x16384xf32>, vector<16x16384xf32> -> vector<64x16384xf32>
    %get3A_18 = arith.constant 0 : index
    %get3A_19 = arith.constant 0 : index
    %get3A_20 = vector.load %arg5[%get3A_18, %get3A_19] : memref<64x64xf32, #tpu.memory_space<vmem>>, vector<64x64xf32>
    %dot_general3A = arith.constant dense<0.000000e+00> : vector<64x16384xf32>
    %dot_general3A_21 = tpu.matmul %get3A_20, %concatenate3A, %dot_general3A {dimension_numbers = #tpu.dot_dimension_numbers<[0], [0], [1], [1], [0, 1, 1, 1], [], []>, transpose_lhs_hint = false} : vector<64x64xf32>, vector<64x16384xf32>, vector<64x16384xf32> -> vector<64x16384xf32>
    %get3A_22 = arith.constant 0 : index
    %get3A_23 = arith.constant 0 : index
    %get3A_24 = vector.load %arg6[%get3A_22, %get3A_23] : memref<64x1xf32, #tpu.memory_space<vmem>>, vector<64x1xf32>
    %add3A = vector.broadcast %get3A_24 : vector<64x1xf32> to vector<64x16384xf32>
    %add3A_25 = arith.addf %dot_general3A_21, %add3A : vector<64x16384xf32>
    %max3A = arith.constant 0.000000e+00 : f32
    %max3A_26 = vector.broadcast %max3A : f32 to vector<64x16384xf32>
    %max3A_27 = arith.maximumf %add3A_25, %max3A_26 : vector<64x16384xf32>
    %get3A_28 = arith.constant 0 : index
    %get3A_29 = arith.constant 0 : index
    %get3A_30 = vector.load %arg7[%get3A_28, %get3A_29] : memref<64x32xf32, #tpu.memory_space<vmem>>, vector<64x32xf32>
    %dot_general3A_31 = arith.constant dense<0.000000e+00> : vector<32x16384xf32>
    %dot_general3A_32 = tpu.matmul %get3A_30, %max3A_27, %dot_general3A_31 {dimension_numbers = #tpu.dot_dimension_numbers<[0], [0], [1], [1], [0, 1, 1, 1], [], []>, transpose_lhs_hint = false} : vector<64x32xf32>, vector<64x16384xf32>, vector<32x16384xf32> -> vector<32x16384xf32>
    %get3A_33 = arith.constant 0 : index
    %get3A_34 = arith.constant 0 : index
    %get3A_35 = vector.load %arg8[%get3A_33, %get3A_34] : memref<32x1xf32, #tpu.memory_space<vmem>>, vector<32x1xf32>
    %add3A_36 = vector.broadcast %get3A_35 : vector<32x1xf32> to vector<32x16384xf32>
    %add3A_37 = arith.addf %dot_general3A_32, %add3A_36 : vector<32x16384xf32>
    %max3A_38 = arith.constant 0.000000e+00 : f32
    %max3A_39 = vector.broadcast %max3A_38 : f32 to vector<32x16384xf32>
    %max3A_40 = arith.maximumf %add3A_37, %max3A_39 : vector<32x16384xf32>
    %get3A_41 = arith.constant 0 : index
    %get3A_42 = arith.constant 0 : index
    %get3A_43 = vector.load %arg9[%get3A_41, %get3A_42] : memref<32x1xf32, #tpu.memory_space<vmem>>, vector<32x1xf32>
    %dot_general3A_44 = arith.constant dense<0.000000e+00> : vector<1x16384xf32>
    %dot_general3A_45 = tpu.matmul %get3A_43, %max3A_40, %dot_general3A_44 {dimension_numbers = #tpu.dot_dimension_numbers<[0], [0], [1], [1], [0, 1, 1, 1], [], []>, transpose_lhs_hint = false} : vector<32x1xf32>, vector<32x16384xf32>, vector<1x16384xf32> -> vector<1x16384xf32>
    %get3A_46 = arith.constant 0 : index
    %get3A_47 = arith.constant 0 : index
    %get3A_48 = vector.load %arg10[%get3A_46, %get3A_47] : memref<1x1xf32, #tpu.memory_space<vmem>>, vector<1x1xf32>
    %get3A_49 = vector.extract %get3A_48[0, 0] : f32 from vector<1x1xf32>
    %add3A_50 = vector.broadcast %get3A_49 : f32 to vector<1x16384xf32>
    %add3A_51 = arith.addf %dot_general3A_45, %add3A_50 : vector<1x16384xf32>
    %logistic3A = arith.negf %add3A_51 : vector<1x16384xf32>
    %logistic3A_52 = math.exp %logistic3A : vector<1x16384xf32>
    %logistic3A_53 = arith.constant 1.000000e+00 : f32
    %logistic3A_54 = vector.broadcast %logistic3A_53 : f32 to vector<1x16384xf32>
    %logistic3A_55 = arith.addf %logistic3A_54, %logistic3A_52 : vector<1x16384xf32>
    %logistic3A_56 = arith.divf %logistic3A_54, %logistic3A_55 : vector<1x16384xf32>
    %squeeze3A = vector.shape_cast %logistic3A_56 : vector<1x16384xf32> to vector<16384xf32>
    %swap3A = arith.constant 0 : index
    %swap3A_57 = vector.load %arg11[%swap3A] : memref<16384xf32, #tpu.memory_space<vmem>>, vector<16384xf32>
    tpu.vector_store %arg11[%swap3A], %squeeze3A {strides = array<i32>} : memref<16384xf32, #tpu.memory_space<vmem>>, vector<16384xf32>,
    return
  }
  func.func @transform_0(%arg0: i32) -> (i32, i32, i32) {
    %c0_i32 = arith.constant 0 : i32
    %c0_i32_0 = arith.constant 0 : i32
    %c0_i32_1 = arith.constant 0 : i32
    return %c0_i32, %arg0, %c0_i32_0 : i32, i32, i32
  }
  func.func @transform_1(%arg0: i32) -> (i32, i32, i32) {
    %c0_i32 = arith.constant 0 : i32
    %c0_i32_0 = arith.constant 0 : i32
    %c0_i32_1 = arith.constant 0 : i32
    return %c0_i32, %arg0, %c0_i32_0 : i32, i32, i32
  }
  func.func @transform_2(%arg0: i32) -> (i32, i32, i32) {
    %c0_i32 = arith.constant 0 : i32
    %c0_i32_0 = arith.constant 0 : i32
    %c0_i32_1 = arith.constant 0 : i32
    return %c0_i32, %arg0, %c0_i32_0 : i32, i32, i32
  }
  func.func @transform_3(%arg0: i32) -> (i32, i32, i32) {
    %c0_i32 = arith.constant 0 : i32
    %c0_i32_0 = arith.constant 0 : i32
    %c0_i32_1 = arith.constant 0 : i32
    return %c0_i32, %arg0, %c0_i32_0 : i32, i32, i32
  }
  func.func @transform_4(%arg0: i32) -> (i32, i32) {
    %c0_i32 = arith.constant 0 : i32
    %c0_i32_0 = arith.constant 0 : i32
    %c0_i32_1 = arith.constant 0 : i32
    return %c0_i32, %c0_i32_0 : i32, i32
  }
  func.func @transform_5(%arg0: i32) -> (i32, i32) {
    %c0_i32 = arith.constant 0 : i32
    %c0_i32_0 = arith.constant 0 : i32
    %c0_i32_1 = arith.constant 0 : i32
    return %c0_i32, %c0_i32_0 : i32, i32
  }
  func.func @transform_6(%arg0: i32) -> (i32, i32) {
    %c0_i32 = arith.constant 0 : i32
    %c0_i32_0 = arith.constant 0 : i32
    %c0_i32_1 = arith.constant 0 : i32
    return %c0_i32, %c0_i32_0 : i32, i32
  }
  func.func @transform_7(%arg0: i32) -> (i32, i32) {
    %c0_i32 = arith.constant 0 : i32
    %c0_i32_0 = arith.constant 0 : i32
    %c0_i32_1 = arith.constant 0 : i32
    return %c0_i32, %c0_i32_0 : i32, i32
  }
  func.func @transform_8(%arg0: i32) -> (i32, i32) {
    %c0_i32 = arith.constant 0 : i32
    %c0_i32_0 = arith.constant 0 : i32
    %c0_i32_1 = arith.constant 0 : i32
    return %c0_i32, %c0_i32_0 : i32, i32
  }
  func.func @transform_9(%arg0: i32) -> (i32, i32) {
    %c0_i32 = arith.constant 0 : i32
    %c0_i32_0 = arith.constant 0 : i32
    %c0_i32_1 = arith.constant 0 : i32
    return %c0_i32, %c0_i32_0 : i32, i32
  }
  func.func @transform_10(%arg0: i32) -> i32 {
    %c0_i32 = arith.constant 0 : i32
    return %arg0 : i32
  }
}

</mosaic_0001>

<sc_bundles>
// kernel: kernel.12.cloned.1.call-start
scs
__scs_entry_jumppad:
0x0: {  	(pc) =	sbr.rel $0x88, $3  }
0x1: {  	(tag) =	ssettag $0x0;
	lr =	simm.s32 $0x1  }
0x2: {  	[smem:$0x3F93] =	sst lr;
	_ =	strace $0xD0000000  }
0x3: {  	_ = 	snop  }
0x4: {  	_ = 	snop  }
0x5: {  	_ = 	snop  }
0x6: {  	_ = 	snop  }
0x7: {  	_ = 	snop  }
__scs_overlays_trampoline_lowered:
0x8: {  	[smem:$0x3FA2] =	sst s0  }
0x9: {  	[smem:$0x3FA3] =	sst s1  }
0xa: {  	[smem:$0x3FA4] =	sst s2  }
0xb: {  	[smem:$0x3FA5] =	sst s3  }
0xc: {  	[smem:$0x3FA6] =	sst s4  }
0xd: {  	[smem:$0x3FA7] =	sst s5  }
0xe: {  	[smem:$0x3FA8] =	sst s6  }
0xf: {  	[smem:$0x3FA9] =	sst s7  }
0x10: {  	[smem:$0x3FAA] =	sst s8  }
0x11: {  	[smem:$0x3FAB] =	sst s9;
	s0 =	simm.s32 @!p0 $0x0  }
0x12: {  	s1 =	sld [smem:$0x3F91];
	s0 =	simm.s32 @p0 $0x1  }
0x13: {  	[smem:$0x3FAC] =	sst s0;
	s0 =	simm.s32 @!p1 $0x0  }
0x14: {  	s2 =	sld [smem:$0x3F90];
	s0 =	simm.s32 @p1 $0x1  }
0x15: {  	[smem:$0x3FAD] =	sst s0;
	s0 =	simm.s32 @!p2 $0x0  }
0x16: {  	s3 =	sld [smem:$0x3FDB];
	s0 =	simm.s32 @p2 $0x1  }
0x17: {  	s4 =	simm.s32 $0x1BF5;
	[smem:$0x3FAF] =	sst s0  }
0x18: {  	s0 =	sld [smem:$0x3F92];
	_ =	swait.ge [sflag:s4], $0x0  }
0x19: {  	s7 =	sld [smem:$0x3F93]  }
0x1a: {  	s8 =	sadd.s32 $0xFFFFE003, lr  }
0x1b: {  	s9 =	sadd.s32 $0xFFFFFEF7, lr;
	s5 =	simm.s32 $0xFFFFFFFF;
	p2 =	slt.u32 s8, $0xFFFFF086  }
0x1c: {  	p1 =	slt.u32 s9, $0xF7A;
	s5 =	simm.s32 @!p2 $0x0  }
0x1d: {  	s5 =	simm.s32 @p1 $0x1;
	p0 =	seq.s32 s7, s2  }
0x1e: {  	s7 =	smul.u32 @!p0 $0xF7A, s2;
	p2 =	seq.s32 @!p0 s5, $0x0  }
0x1f: {  	s9 =	smul.u32 $0xF7A, s1;
	s8 =	simm.s32 @!p0 $0x1BF5;
	p2 =	por !p2, p0  }
0x20: {  	[sflag:s8] =	ssyncset.s32 @!p0 $0xFFFFF086;
	s6 =	sadd.s32 @!p0 s3, s7;
	s7 =	simm.s32 @!p0 $0x108  }
0x21: {  	s3 =	sadd.s32 s3, s9;
	s6 =	sadd.s32 @!p0 $0x88, s6;
	s7 =	simm.s32 @p2 $0x1082  }
0x22: {  	[simem:s7], [sflag:s8] =	dma.local @!p0 [hbm:s6], $0xF7A  }
0x23: {  	s9 =	sor.u32 $0xD0000000, s2;
	s6 =	simm.s32 $0x108;
	_ =	swait.ge @!p0 [sflag:s8], $0x0  }
0x24: {  	s3 =	sadd.s32 $0x88, s3;
	s6 =	simm.s32 @!p1 $0x1082;
	[sflag:s4] =	ssyncset.s32 $0xFFFFF086  }
0x25: {  	[simem:s6], [sflag:s4] =	dma.local [hbm:s3], $0xF7A  }
0x26: {  	[smem:$0x3F93] =	sst s1;
	(tag) =	ssettag s2;
	_ =	strace s9  }
0x27: {  	s1 =	sld [smem:$0x3FA3]  }
0x28: {  	s2 =	sld [smem:$0x3FA4]  }
0x29: {  	s4 =	sld [smem:$0x3FA6]  }
0x2a: {  	p0 =	seq.s32 s5, $0x0;
	s5 =	sld [smem:$0x3FA7]  }
0x2b: {  	s6 =	sld [smem:$0x3FA8]  }
0x2c: {  	s7 =	sld [smem:$0x3FA9]  }
0x2d: {  	s3 =	simm.s32 $0x108;
	s8 =	sld [smem:$0x3FAA]  }
0x2e: {  	s3 =	simm.s32 @!p0 $0x1082;
	s9 =	sld [smem:$0x3FAB]  }
0x2f: {  	lr =	sadd.s32 s0, s3;
	s0 =	sld [smem:$0x3FA2]  }
0x30: {  	s3 =	sld [smem:$0x3FA5]  }
0x31: {  	[smem:$0x3FAE] =	sst s10  }
0x32: {  	s10 =	sld [smem:$0x3FAC];
	_ =	sdelay $0x3  }
0x33: {  	p0 =	seq.s32 s10, $0x1;
	s10 =	sld [smem:$0x3FAE];
	_ =	sdelay $0x3  }
0x34: {  	[smem:$0x3FAE] =	sst s10  }
0x35: {  	s10 =	sld [smem:$0x3FAD];
	_ =	sdelay $0x3  }
0x36: {  	p1 =	seq.s32 s10, $0x1;
	s10 =	sld [smem:$0x3FAE];
	_ =	sdelay $0x3  }
0x37: {  	[smem:$0x3FAE] =	sst s10  }
0x38: {  	s10 =	sld [smem:$0x3FAF]  }
0x39: {  	_ = 	snop;
	(pc) =	sbr.ind lr, $3  }
0x3a: {  	_ = 	snop  }
0x3b: {  	_ = 	snop  }
0x3c: {  	p2 =	seq.s32 s10, $0x1;
	s10 =	sld [smem:$0x3FAE]  }
0x3d: {  	_ =	shalt  }
0x3e: {  	_ =	shalt  }
0x3f: {  	_ =	shalt  }
0x40: {  	_ =	shalt  }
0x41: {  	_ =	shalt  }
0x42: {  	_ =	shalt  }
0x43: {  	_ =	shalt  }
0x44: {  	_ =	shalt  }
0x45: {  	_ =	shalt  }
0x46: {  	_ =	shalt  }
0x47: {  	_ =	shalt  }
0x48: {  	_ =	shalt  }
0x49: {  	_ =	shalt  }
0x4a: {  	_ =	shalt  }
0x4b: {  	_ =	shalt  }
0x4c: {  	_ =	shalt  }
0x4d: {  	_ =	shalt  }
0x4e: {  	_ =	shalt  }
0x4f: {  	_ =	shalt  }
0x50: {  	_ =	shalt  }
0x51: {  	_ =	shalt  }
0x52: {  	_ =	shalt  }
0x53: {  	_ =	shalt  }
0x54: {  	_ =	shalt  }
0x55: {  	_ =	shalt  }
0x56: {  	_ =	shalt  }
0x57: {  	_ =	shalt  }
0x58: {  	_ =	shalt  }
0x59: {  	_ =	shalt  }
0x5a: {  	_ =	shalt  }
0x5b: {  	_ =	shalt  }
0x5c: {  	_ =	shalt  }
0x5d: {  	_ =	shalt  }
0x5e: {  	_ =	shalt  }
0x5f: {  	_ =	shalt  }
0x60: {  	_ =	shalt  }
0x61: {  	_ =	shalt  }
0x62: {  	_ =	shalt  }
0x63: {  	_ =	shalt  }
0x64: {  	_ =	shalt  }
0x65: {  	_ =	shalt  }
0x66: {  	_ =	shalt  }
0x67: {  	_ =	shalt  }
0x68: {  	_ =	shalt  }
0x69: {  	_ =	shalt  }
0x6a: {  	_ =	shalt  }
0x6b: {  	_ =	shalt  }
0x6c: {  	_ =	shalt  }
0x6d: {  	_ =	shalt  }
0x6e: {  	_ =	shalt  }
0x6f: {  	_ =	shalt  }
0x70: {  	_ =	shalt  }
0x71: {  	_ =	shalt  }
0x72: {  	_ =	shalt  }
0x73: {  	_ =	shalt  }
0x74: {  	_ =	shalt  }
0x75: {  	_ =	shalt  }
0x76: {  	_ =	shalt  }
0x77: {  	_ =	shalt  }
0x78: {  	_ =	shalt  }
0x79: {  	_ =	shalt  }
0x7a: {  	_ =	shalt  }
0x7b: {  	_ =	shalt  }
0x7c: {  	_ =	shalt  }
0x7d: {  	_ =	shalt  }
0x7e: {  	_ =	shalt  }
0x7f: {  	_ =	shalt  }
0x80: {  	_ =	shalt  }
0x81: {  	_ =	shalt  }
0x82: {  	_ =	shalt  }
0x83: {  	_ =	shalt  }
0x84: {  	_ =	shalt  }
0x85: {  	_ =	shalt  }
0x86: {  	_ =	shalt  }
0x87: {  	_ =	shalt  }
.Lfunc_end0:
.L_simem_size_0:
called_computation.2_lowered:
.L_overlay_start_0:
0x88: {  	s2 =	sld [smem:$0x3FD9]  }
0x89: {  	s3 =	sld [smem:$0x3FFE];
	_ =	sdelay $0x1  }
0x8a: {  	s1 =	srdreg.scid  }
0x8b: {  	s0 =	sand.u32 $0x1, s1  }
0x8c: {  	s17 =	sshll.u32 s0, $0xA;
	s2 =	sadd.s32 s3, s2  }
0x8d: {  	s2 =	sadd.s32 s2, s17  }
0x8e: {  	[smem:$0x3FBA] =	sst s2  }
0x8f: {  	_ = 	snop  }
0x90: {  	s18 =	sld [smem:$0x3FC6];
	(tm) =	ssettm $0x1  }
0x91: {  	s19 =	sld [smem:$0x3FFB];
	_ =	sdelay $0x3  }
0x92: {  	_ =	strace s19  }
0x93: {  	s2 =	sld [smem:$0x3FFC];
	_ =	sdelay $0x3  }
0x94: {  	_ =	strace s2  }
0x95: {  	s2 =	sld [smem:$0x3FFD];
	_ =	sdelay $0x3  }
0x96: {  	_ =	strace s2  }
0x97: {  	_ =	strace $0x8FFFFFFF  }
0x98: {  	s20 =	sld [smem:$0x3FDB];
	_ =	sdelay $0x1  }
0x99: {  	s4 =	simm.s32 $_scs_section_size  }
0x9a: {  	s5 =	simm.s32 $_size__tile_overlayer_lowered;
	s6 =	simm.s32 $_tile_overlayer_lowered  }
0x9b: {  	s7 =	simm.s32 $0x1BFF;
	s21 =	sshll.u32 s6, $0x1;
	s4 =	sadd.s32 s4, s20  }
0x9c: {  	s22 =	simm.s32 $0x0;
	s5 =	sshll.u32 s5, $0x1;
	s6 =	sadd.s32 s21, s4  }
0x9d: {  	[timem:s22], [sflag:s7] =	dma.local [hbm:s6], s5  }
0x9e: {  	_ =	swait.ge [sflag:s7], s5  }
0x9f: {  	s5 =	ssub.s32 $0x0, s5;
	[sflag:s7] =	ssyncset.done $0x0  }
0xa0: {  	[sflag:s7] =	ssyncadd.s32 s5;
	_ =	sdelay $0x1  }
0xa1: {  	s23 =	simm.s32 $0x1B8B  }
0xa2: {  	_ =	swait.ge [sflag:s23], $0x1  }
0xa3: {  	[sflag:s23] =	ssyncset.done $0x0  }
0xa4: {  	[sflag:s23] =	ssyncadd.s32 $0xFFFFFFFF  }
0xa5: {  	s5 =	sld [smem:$0x0]  }
0xa6: {  	s6 =	sand.u32 $0xFFFFFFFE, s1  }
0xa7: {  	p0 =	sne.s32 s1, s6  }
0xa8: {  	s6 =	sshll.u32 @p0 s6, $0xE  }
0xa9: {  	s6 =	sadd.s32 @p0 $0x11B8D, s6;
	s7 =	sshll.u32 @p0 s5, $0x11  }
0xaa: {  	s6 =	sor.u32 @p0 s7, s6  }
0xab: {  	[sflag:s6] =	ssyncadd.remote.s32 @p0 $0x1;
	_ =	sdelay $0x1  }
0xac: {  	s6 =	simm.s32 @p0 $0x1B8D  }
0xad: {  	_ =	swait.eq @p0 [sflag:s6], $0x1  }
0xae: {  	[sflag:s6] =	ssyncadd.s32 @p0 $0xFFFFFFFF  }
0xaf: {  	s7 =	sshll.u32 @!p0 s1, $0xE  }
0xb0: {  	s7 =	sor.u32 @!p0 $0x4000, s7;
	s6 =	simm.s32 @!p0 $0x1B8D  }
0xb1: {  	s5 =	sshll.u32 @!p0 s5, $0x11;
	s7 =	sadd.s32 @!p0 $0x11B8D, s7;
	_ =	swait.eq @!p0 [sflag:s6], $0x1  }
0xb2: {  	s5 =	sor.u32 @!p0 s5, s7;
	[sflag:s6] =	ssyncadd.s32 @!p0 $0xFFFFFFFF  }
0xb3: {  	s25 =	simm.s32 $0x1B8E;
	s24 =	sld [smem:$0x3FFE];
	[sflag:s5] =	ssyncadd.remote.s32 @!p0 $0x1  }
0xb4: {  	s26 =	simm.s32 $execute0_lowered;
	[smem:$0x3FD2] =	sst s25  }
0xb5: {  	s6 =	sshll.u32 s26, $0x1;
	_ =	strace $0x8000004C;
	[dreg:$0x1] =	wrdreg $0xFFFFFFFF  }
0xb6: {  	s28 =	simm.s32 $_size_execute0_lowered;
	s4 =	sadd.s32 s4, s6;
	[dreg:$0x0] =	wrdreg $0x0  }
0xb7: {  	s6 =	sshll.u32 s28, $0x1;
	[dreg:$0x2] =	wrdreg s4  }
0xb8: {  	[dreg:$0x3] =	wrdreg s6  }
0xb9: {  	[dreg:$0x4] =	wrdreg $0xC0  }
0xba: {  	_ =	task [dreg:s22], $0x5FFFF  }
0xbb: {  	[dreg:$0x1] =	wrdreg $0xFFFFFFFF  }
0xbc: {  	[dreg:$0x0] =	wrdreg $0x60  }
0xbd: {  	[dreg:$0x2] =	wrdreg s18  }
0xbe: {  	[dreg:$0x3] =	wrdreg s24  }
0xbf: {  	[dreg:$0x4] =	wrdreg $0xB  }
0xc0: {  	_ =	task.clear_ibuf [dreg:s22], $0x5FFFF;
	_ =	strace $0x9000004C  }
0xc1: {  	s29 =	simm.s32 $0xB;
	_ =	strace $0x8000004E  }
0xc2: {  	_ =	swait.ge [sflag:s29], $0x1  }
0xc3: {  	[sflag:s29] =	ssyncadd.s32 $0xFFFFFFFF  }
0xc4: {  	_ =	strace $0x9000004E  }
0xc5: {  	_ =	sfence  }
0xc6: {  	s30 =	sld [smem:$0x0];
	_ =	sdelay $0x2  }
0xc7: {  	s31 =	sshll.u32 s1, $0xD;
	s1 =	sshrl.u32 s1, $0x2  }
0xc8: {  	s4 =	sand.u32 $0x4000, s31;
	s1 =	sadd.s32 s1, s30  }
0xc9: {  	s0 =	sor.u32 s4, s0;
	s1 =	sshll.u32 s1, $0x11  }
0xca: {  	s0 =	sor.u32 s1, s0  }
0xcb: {  	s0 =	sadd.s32 $0x8F2B, s0  }
0xcc: {  	[sflag:s0] =	ssyncadd.remote.s32 $0x1  }
0xcd: {  	_ =	sfence.sel $0xFFFF  }
0xce: {  	[dreg:$0x0] =	wrdreg $0xFFFFFFFF;
	(pc) =	sbr.abs _section_cstart, $3  }
0xcf: {  	[dreg:$0x1] =	wrdreg $0xFFFFFFFF  }
0xd0: {  	_ =	task.clear_ibuf [dreg:s22], $0x2FFFF;
	_ =	strace $0x9FFFFFFF  }
0xd1: {  	(tm) =	ssettm $0x7FFFFFFF  }
tec
execute0_lowered:
.L_overlay_start_1:
0x0: {  	(tag) =	ssettag $0x1  }
0x1: {  	s4 =	rddreg [dreg:$0x0]  }
0x2: {  	s3 =	rddreg [dreg:$0x1]  }
0x3: {  	s0 =	rddreg [dreg:$0x2]  }
0x4: {  	s2 =	simm.s32 $0x0;
	s5 =	srdreg.scid;
	s1 =	stileid.u32  }
0x5: {  	s11 =	simm.s32 $0x0;
	[smem:$0x7FF] =	sst s2;
	s5 =	sand.u32 $0x1, s5  }
0x6: {  	s6 =	smul.u32 $0x30D4, s1;
	s10 =	sshll.u32 s1, $0xB;
	s7 =	sshll.u32 s5, $0xA  }
0x7: {  	_ =	strace $0x8000004D;
	s5 =	ssub.s32 $0x2, s5;
	s8 =	sadd.s32 s7, s3  }
0x8: {  	s9 =	sshrl.u32 s5, $0x1;
	s3 =	sadd.s32 s6, s3;
	s4 =	sadd.s32 s4, s7  }
0x9: {  	s7 =	simm.s32 $0x186A0;
	s30 =	ssub.s32 s5, s9;
	s31 =	sadd.s32 s10, s8  }
0xa: {  	s3 =	sadd.s32 $0x7D000, s3;
	s8 =	simm.s32 $0x1;
	s9 =	simm.s32 $0x2  }
0xb: {  	s10 =	simm.s32 $0x1A6A0;
	s5 =	sadd.s32 $0xADE00, s31;
	s6 =	smax.u32 s30, $0x1  }
.LBB2_1:
0xc: {  	[tilespmem:s2], [sflag:$0x1] =	stream.linear.gather [hbm4b:s3+s2], $0x186A0, $0x38;
	[tilespmem:$0x1C6A0] =	vst v63  }
0xd: {  	_ = 	snop  }
0xe: {  	[tilespmem:s7], [sflag:$0x2] =	stream.linear.gather [hbm4b:s4+s2], $0x2000, $0x38;
	[tilespmem:$0x1C6A0] =	vst v63  }
0xf: {  	_ =	swait.ge [sflag:s8], $0x186A0  }
0x10: {  	[sflag:s8] =	ssyncset.done $0x0  }
0x11: {  	[sflag:s8] =	ssyncadd.s32 $0xFFFE7960  }
0x12: {  	_ =	swait.ge [sflag:s9], $0x2000  }
0x13: {  	[sflag:s9] =	ssyncset.done $0x0  }
0x14: {  	s12 =	simm.s32 $0x0;
	[sflag:s9] =	ssyncadd.s32 $0xFFFFE000  }
0x15: {  	v0 =	vld [tilespmem:s12+$0x186A0];
	_ =	sdelay $0x5  }
0x16: {  	v1 =	vld [tilespmem:s12+$0x186B0];
	_ =	sdelay $0x1  }
0x17: {  	v0 =	vld.idx.msk [tilespmem:v0+s2+$0x0], $0xffff;
	_ =	sdelay $0x4  }
0x18: {  	[tilespmem:s12+$0x1A6A0] =	vst v0;
	v0 =	vld [tilespmem:s12+$0x186C0]  }
0x19: {  	v1 =	vld.idx.msk [tilespmem:v1+s2+$0x0], $0xffff;
	_ =	sdelay $0x4  }
0x1a: {  	[tilespmem:s12+$0x1A6B0] =	vst v1;
	v1 =	vld [tilespmem:s12+$0x186D0];
	_ =	sdelay $0x1  }
0x1b: {  	v0 =	vld.idx.msk [tilespmem:v0+s2+$0x0], $0xffff;
	_ =	sdelay $0x4  }
0x1c: {  	[tilespmem:s12+$0x1A6C0] =	vst v0;
	v0 =	vld [tilespmem:s12+$0x186E0]  }
0x1d: {  	v1 =	vld.idx.msk [tilespmem:v1+s2+$0x0], $0xffff;
	_ =	sdelay $0x4  }
0x1e: {  	[tilespmem:s12+$0x1A6D0] =	vst v1;
	v1 =	vld [tilespmem:s12+$0x186F0];
	_ =	sdelay $0x1  }
0x1f: {  	v0 =	vld.idx.msk [tilespmem:v0+s2+$0x0], $0xffff;
	_ =	sdelay $0x4  }
0x20: {  	v2 =	vld [tilespmem:s12+$0x18700];
	[tilespmem:s12+$0x1A6E0] =	vst v0  }
0x21: {  	v0 =	vld.idx.msk [tilespmem:v1+s2+$0x0], $0xffff;
	_ =	sdelay $0x4  }
0x22: {  	[tilespmem:s12+$0x1A6F0] =	vst v0;
	v0 =	vld [tilespmem:s12+$0x18710];
	_ =	sdelay $0x1  }
0x23: {  	v1 =	vld.idx.msk [tilespmem:v2+s2+$0x0], $0xffff;
	_ =	sdelay $0x3  }
0x24: {  	s14 =	simm.s32 $0x80;
	s13 =	simm.s32 $0x400  }
.LBB2_2:
0x25: {  	p0 =	sne.s32 s13, $0x7E00;
	v2 =	vld [tilespmem:s14+$0x186A0];
	[tilespmem:s12+$0x1A700] =	vst v1  }
0x26: {  	v0 =	vld.idx.msk [tilespmem:v0+s2+$0x0], $0xffff;
	_ =	sdelay $0x5  }
0x27: {  	v1 =	vld [tilespmem:s14+$0x186B0];
	[tilespmem:s12+$0x1A710] =	vst v0;
	s12 =	smov.u32 s14  }
0x28: {  	v0 =	vld.idx.msk [tilespmem:v2+s2+$0x0], $0xffff;
	_ =	sdelay $0x5  }
0x29: {  	[tilespmem:s12+$0x1A6A0] =	vst v0;
	v0 =	vld [tilespmem:s12+$0x186C0]  }
0x2a: {  	v1 =	vld.idx.msk [tilespmem:v1+s2+$0x0], $0xffff;
	_ =	sdelay $0x5  }
0x2b: {  	[tilespmem:s12+$0x1A6B0] =	vst v1;
	v1 =	vld [tilespmem:s12+$0x186D0]  }
0x2c: {  	v0 =	vld.idx.msk [tilespmem:v0+s2+$0x0], $0xffff;
	_ =	sdelay $0x5  }
0x2d: {  	[tilespmem:s12+$0x1A6C0] =	vst v0;
	v0 =	vld [tilespmem:s12+$0x186E0]  }
0x2e: {  	v1 =	vld.idx.msk [tilespmem:v1+s2+$0x0], $0xffff;
	_ =	sdelay $0x5  }
0x2f: {  	[tilespmem:s12+$0x1A6D0] =	vst v1;
	v1 =	vld [tilespmem:s12+$0x186F0]  }
0x30: {  	v0 =	vld.idx.msk [tilespmem:v0+s2+$0x0], $0xffff;
	_ =	sdelay $0x5  }
0x31: {  	[tilespmem:s12+$0x1A6E0] =	vst v0;
	v2 =	vld [tilespmem:s12+$0x18700]  }
0x32: {  	v0 =	vld.idx.msk [tilespmem:v1+s2+$0x0], $0xffff;
	_ =	sdelay $0x5  }
0x33: {  	[tilespmem:s12+$0x1A6F0] =	vst v0;
	v0 =	vld [tilespmem:s12+$0x18710]  }
0x34: {  	v1 =	vld.idx.msk [tilespmem:v2+s2+$0x0], $0xffff  }
.Ltmp0:
0x35: {  	(pc) =	sbr.rel @p0 .LBB2_2-.Ltmp0, $2  }
0x36: {  	_ =	sdelay $0x2  }
0x37: {  	s14 =	sshra.s32 s13, $0x2;
	s13 =	sadd.s32 $0x200, s13  }
0x38: {  	_ =	sdelay $0x1  }
0x39: {  	v2 =	vld [tilespmem:s14+$0x186A0]  }
0x3a: {  	[tilespmem:s12+$0x1A700] =	vst v1  }
0x3b: {  	v0 =	vld.idx.msk [tilespmem:v0+s2+$0x0], $0xffff;
	_ =	sdelay $0x3  }
0x3c: {  	v1 =	vld [tilespmem:s14+$0x186B0]  }
0x3d: {  	[tilespmem:s12+$0x1A710] =	vst v0  }
0x3e: {  	v0 =	vld.idx.msk [tilespmem:v2+s2+$0x0], $0xffff;
	_ =	sdelay $0x3  }
0x3f: {  	v58 =	vld [tilespmem:s14+$0x186C0]  }
0x40: {  	[tilespmem:s14+$0x1A6A0] =	vst v0  }
0x41: {  	v1 =	vld.idx.msk [tilespmem:v1+s2+$0x0], $0xffff;
	_ =	sdelay $0x3  }
0x42: {  	v59 =	vld [tilespmem:s14+$0x186D0]  }
0x43: {  	[tilespmem:s14+$0x1A6B0] =	vst v1  }
0x44: {  	v0 =	vld.idx.msk [tilespmem:v58+s2+$0x0], $0xffff;
	_ =	sdelay $0x3  }
0x45: {  	v60 =	vld [tilespmem:s14+$0x186E0]  }
0x46: {  	[tilespmem:s14+$0x1A6C0] =	vst v0  }
0x47: {  	v1 =	vld.idx.msk [tilespmem:v59+s2+$0x0], $0xffff;
	_ =	sdelay $0x3  }
0x48: {  	v61 =	vld [tilespmem:s14+$0x186F0]  }
0x49: {  	[tilespmem:s14+$0x1A6D0] =	vst v1  }
0x4a: {  	v0 =	vld.idx.msk [tilespmem:v60+s2+$0x0], $0xffff;
	_ =	sdelay $0x3  }
0x4b: {  	v62 =	vld [tilespmem:s14+$0x18700]  }
0x4c: {  	[tilespmem:s14+$0x1A6E0] =	vst v0  }
0x4d: {  	v1 =	vld.idx.msk [tilespmem:v61+s2+$0x0], $0xffff;
	_ =	sdelay $0x3  }
0x4e: {  	v63 =	vld [tilespmem:s14+$0x18710]  }
0x4f: {  	[tilespmem:s14+$0x1A6F0] =	vst v1  }
0x50: {  	v0 =	vld.idx.msk [tilespmem:v62+s2+$0x0], $0xffff;
	_ =	sdelay $0x4  }
0x51: {  	[tilespmem:s14+$0x1A700] =	vst v0  }
0x52: {  	v0 =	vld.idx.msk [tilespmem:v63+s2+$0x0], $0xffff;
	_ =	sdelay $0x2  }
0x53: {  	s11 =	sadd.s32 $0x1, s11  }
0x54: {  	p0 =	sne.s32 s11, s6  }
.Ltmp1:
0x55: {  	[tilespmem:s14+$0x1A710] =	vst v0;
	(pc) =	sbr.rel @p0 .LBB2_1-.Ltmp1, $4  }
0x56: {  	[hbm4b:s5+s2] =	stream.linear.scatter [tilespmem:s10], [sflag:$0x1], $0x2000, $0x38;
	[tilespmem:$0x1C6A0] =	vst v63  }
0x57: {  	_ =	swait.ge [sflag:s8], $0x2000  }
0x58: {  	[sflag:s8] =	ssyncset.done $0x0  }
0x59: {  	[sflag:s8] =	ssyncadd.s32 $0xFFFFE000  }
0x5a: {  	_ =	sfence.sel $0x180000  }
0x5b: {  	[bflag:$0x0] =	sbarrier.arrive $0xFFFF  }
0x5c: {  	p0 =	sne.s32 s1, $0x0;
	_ =	strace $0x9000004D  }
0x5d: {  	s0 =	sadd.s32 @!p0 $0x100000, s0;
	[bflag:$0x2] =	sbarrier.arrive $0xFFFF  }
0x5e: {  	[sflag:s0] =	ssyncadd.tile.s32 @!p0 $0x1;
	_ =	shalt  }
.Lfunc_end2:
_tile_overlayer_lowered:
.L_overlay_start_2:
0x5f: {  	(tag) =	ssettag $0x2  }
0x60: {  	s0 =	rddreg [dreg:$0x0];
	s2 =	stileid.u32  }
0x61: {  	s1 =	rddreg [dreg:$0x1];
	p0 =	sne.s32 s2, $0x0  }
0x62: {  	s3 =	rddreg [dreg:$0x2];
	[bflag:$0x3] =	sbarrier.arrive $0xFFFF;
	s2 =	simm.s32 @!p0 $0x1C03  }
0x63: {  	[timem:s3], [sflag:s2] =	dma.local @!p0 [hbm:s0], s1  }
0x64: {  	s0 =	simm.s32 @!p0 $0x3  }
0x65: {  	_ =	swait.ge @!p0 [sflag:s0], s1  }
0x66: {  	s1 =	ssub.s32 @!p0 $0x0, s1;
	[sflag:s0] =	ssyncset.done @!p0 $0x0  }
0x67: {  	[sflag:s0] =	ssyncadd.s32 @!p0 s1  }
0x68: {  	[bflag:$0x3] =	sbarrier.arrive $0xFFFF  }
0x69: {  	_ =	shalt  }

// kernel: kernel.6.cloned.1.call-start
scs
__scs_entry_jumppad:
0x0: {  	(pc) =	sbr.rel $0x88, $3  }
0x1: {  	(tag) =	ssettag $0x0;
	lr =	simm.s32 $0x1  }
0x2: {  	[smem:$0x3F93] =	sst lr;
	_ =	strace $0xD0000000  }
0x3: {  	_ = 	snop  }
0x4: {  	_ = 	snop  }
0x5: {  	_ = 	snop  }
0x6: {  	_ = 	snop  }
0x7: {  	_ = 	snop  }
__scs_overlays_trampoline_lowered:
0x8: {  	[smem:$0x3FA2] =	sst s0  }
0x9: {  	[smem:$0x3FA3] =	sst s1  }
0xa: {  	[smem:$0x3FA4] =	sst s2  }
0xb: {  	[smem:$0x3FA5] =	sst s3  }
0xc: {  	[smem:$0x3FA6] =	sst s4  }
0xd: {  	[smem:$0x3FA7] =	sst s5  }
0xe: {  	[smem:$0x3FA8] =	sst s6  }
0xf: {  	[smem:$0x3FA9] =	sst s7  }
0x10: {  	[smem:$0x3FAA] =	sst s8  }
0x11: {  	[smem:$0x3FAB] =	sst s9;
	s0 =	simm.s32 @!p0 $0x0  }
0x12: {  	s1 =	sld [smem:$0x3F91];
	s0 =	simm.s32 @p0 $0x1  }
0x13: {  	[smem:$0x3FAC] =	sst s0;
	s0 =	simm.s32 @!p1 $0x0  }
0x14: {  	s2 =	sld [smem:$0x3F90];
	s0 =	simm.s32 @p1 $0x1  }
0x15: {  	[smem:$0x3FAD] =	sst s0;
	s0 =	simm.s32 @!p2 $0x0  }
0x16: {  	s3 =	sld [smem:$0x3FDB];
	s0 =	simm.s32 @p2 $0x1  }
0x17: {  	s4 =	simm.s32 $0x1BF5;
	[smem:$0x3FAF] =	sst s0  }
0x18: {  	s0 =	sld [smem:$0x3F92];
	_ =	swait.ge [sflag:s4], $0x0  }
0x19: {  	s7 =	sld [smem:$0x3F93]  }
0x1a: {  	s8 =	sadd.s32 $0xFFFFE003, lr  }
0x1b: {  	s9 =	sadd.s32 $0xFFFFFEF7, lr;
	s5 =	simm.s32 $0xFFFFFFFF;
	p2 =	slt.u32 s8, $0xFFFFF086  }
0x1c: {  	p1 =	slt.u32 s9, $0xF7A;
	s5 =	simm.s32 @!p2 $0x0  }
0x1d: {  	s5 =	simm.s32 @p1 $0x1;
	p0 =	seq.s32 s7, s2  }
0x1e: {  	s7 =	smul.u32 @!p0 $0xF7A, s2;
	p2 =	seq.s32 @!p0 s5, $0x0  }
0x1f: {  	s9 =	smul.u32 $0xF7A, s1;
	s8 =	simm.s32 @!p0 $0x1BF5;
	p2 =	por !p2, p0  }
0x20: {  	[sflag:s8] =	ssyncset.s32 @!p0 $0xFFFFF086;
	s6 =	sadd.s32 @!p0 s3, s7;
	s7 =	simm.s32 @!p0 $0x108  }
0x21: {  	s3 =	sadd.s32 s3, s9;
	s6 =	sadd.s32 @!p0 $0x88, s6;
	s7 =	simm.s32 @p2 $0x1082  }
0x22: {  	[simem:s7], [sflag:s8] =	dma.local @!p0 [hbm:s6], $0xF7A  }
0x23: {  	s9 =	sor.u32 $0xD0000000, s2;
	s6 =	simm.s32 $0x108;
	_ =	swait.ge @!p0 [sflag:s8], $0x0  }
0x24: {  	s3 =	sadd.s32 $0x88, s3;
	s6 =	simm.s32 @!p1 $0x1082;
	[sflag:s4] =	ssyncset.s32 $0xFFFFF086  }
0x25: {  	[simem:s6], [sflag:s4] =	dma.local [hbm:s3], $0xF7A  }
0x26: {  	[smem:$0x3F93] =	sst s1;
	(tag) =	ssettag s2;
	_ =	strace s9  }
0x27: {  	s1 =	sld [smem:$0x3FA3]  }
0x28: {  	s2 =	sld [smem:$0x3FA4]  }
0x29: {  	s4 =	sld [smem:$0x3FA6]  }
0x2a: {  	p0 =	seq.s32 s5, $0x0;
	s5 =	sld [smem:$0x3FA7]  }
0x2b: {  	s6 =	sld [smem:$0x3FA8]  }
0x2c: {  	s7 =	sld [smem:$0x3FA9]  }
0x2d: {  	s3 =	simm.s32 $0x108;
	s8 =	sld [smem:$0x3FAA]  }
0x2e: {  	s3 =	simm.s32 @!p0 $0x1082;
	s9 =	sld [smem:$0x3FAB]  }
0x2f: {  	lr =	sadd.s32 s0, s3;
	s0 =	sld [smem:$0x3FA2]  }
0x30: {  	s3 =	sld [smem:$0x3FA5]  }
0x31: {  	[smem:$0x3FAE] =	sst s10  }
0x32: {  	s10 =	sld [smem:$0x3FAC];
	_ =	sdelay $0x3  }
0x33: {  	p0 =	seq.s32 s10, $0x1;
	s10 =	sld [smem:$0x3FAE];
	_ =	sdelay $0x3  }
0x34: {  	[smem:$0x3FAE] =	sst s10  }
0x35: {  	s10 =	sld [smem:$0x3FAD];
	_ =	sdelay $0x3  }
0x36: {  	p1 =	seq.s32 s10, $0x1;
	s10 =	sld [smem:$0x3FAE];
	_ =	sdelay $0x3  }
0x37: {  	[smem:$0x3FAE] =	sst s10  }
0x38: {  	s10 =	sld [smem:$0x3FAF]  }
0x39: {  	_ = 	snop;
	(pc) =	sbr.ind lr, $3  }
0x3a: {  	_ = 	snop  }
0x3b: {  	_ = 	snop  }
0x3c: {  	p2 =	seq.s32 s10, $0x1;
	s10 =	sld [smem:$0x3FAE]  }
0x3d: {  	_ =	shalt  }
0x3e: {  	_ =	shalt  }
0x3f: {  	_ =	shalt  }
0x40: {  	_ =	shalt  }
0x41: {  	_ =	shalt  }
0x42: {  	_ =	shalt  }
0x43: {  	_ =	shalt  }
0x44: {  	_ =	shalt  }
0x45: {  	_ =	shalt  }
0x46: {  	_ =	shalt  }
0x47: {  	_ =	shalt  }
0x48: {  	_ =	shalt  }
0x49: {  	_ =	shalt  }
0x4a: {  	_ =	shalt  }
0x4b: {  	_ =	shalt  }
0x4c: {  	_ =	shalt  }
0x4d: {  	_ =	shalt  }
0x4e: {  	_ =	shalt  }
0x4f: {  	_ =	shalt  }
0x50: {  	_ =	shalt  }
0x51: {  	_ =	shalt  }
0x52: {  	_ =	shalt  }
0x53: {  	_ =	shalt  }
0x54: {  	_ =	shalt  }
0x55: {  	_ =	shalt  }
0x56: {  	_ =	shalt  }
0x57: {  	_ =	shalt  }
0x58: {  	_ =	shalt  }
0x59: {  	_ =	shalt  }
0x5a: {  	_ =	shalt  }
0x5b: {  	_ =	shalt  }
0x5c: {  	_ =	shalt  }
0x5d: {  	_ =	shalt  }
0x5e: {  	_ =	shalt  }
0x5f: {  	_ =	shalt  }
0x60: {  	_ =	shalt  }
0x61: {  	_ =	shalt  }
0x62: {  	_ =	shalt  }
0x63: {  	_ =	shalt  }
0x64: {  	_ =	shalt  }
0x65: {  	_ =	shalt  }
0x66: {  	_ =	shalt  }
0x67: {  	_ =	shalt  }
0x68: {  	_ =	shalt  }
0x69: {  	_ =	shalt  }
0x6a: {  	_ =	shalt  }
0x6b: {  	_ =	shalt  }
0x6c: {  	_ =	shalt  }
0x6d: {  	_ =	shalt  }
0x6e: {  	_ =	shalt  }
0x6f: {  	_ =	shalt  }
0x70: {  	_ =	shalt  }
0x71: {  	_ =	shalt  }
0x72: {  	_ =	shalt  }
0x73: {  	_ =	shalt  }
0x74: {  	_ =	shalt  }
0x75: {  	_ =	shalt  }
0x76: {  	_ =	shalt  }
0x77: {  	_ =	shalt  }
0x78: {  	_ =	shalt  }
0x79: {  	_ =	shalt  }
0x7a: {  	_ =	shalt  }
0x7b: {  	_ =	shalt  }
0x7c: {  	_ =	shalt  }
0x7d: {  	_ =	shalt  }
0x7e: {  	_ =	shalt  }
0x7f: {  	_ =	shalt  }
0x80: {  	_ =	shalt  }
0x81: {  	_ =	shalt  }
0x82: {  	_ =	shalt  }
0x83: {  	_ =	shalt  }
0x84: {  	_ =	shalt  }
0x85: {  	_ =	shalt  }
0x86: {  	_ =	shalt  }
0x87: {  	_ =	shalt  }
.Lfunc_end0:
.L_simem_size_0:
called_computation_lowered:
.L_overlay_start_0:
0x88: {  	s2 =	sld [smem:$0x3FD9]  }
0x89: {  	s3 =	sld [smem:$0x3FFE];
	_ =	sdelay $0x1  }
0x8a: {  	s1 =	srdreg.scid  }
0x8b: {  	s0 =	sand.u32 $0x1, s1  }
0x8c: {  	s17 =	sshll.u32 s0, $0xA;
	s2 =	sadd.s32 s3, s2  }
0x8d: {  	s2 =	sadd.s32 s2, s17  }
0x8e: {  	[smem:$0x3FBA] =	sst s2  }
0x8f: {  	_ = 	snop  }
0x90: {  	s2 =	sld [smem:$0x3FC9]  }
0x91: {  	s18 =	sld [smem:$0x3FC7]  }
0x92: {  	s4 =	sld [smem:$0x3FD0];
	(tm) =	ssettm $0x1  }
0x93: {  	s5 =	sld [smem:$0x3FFB];
	_ =	sdelay $0x3  }
0x94: {  	_ =	strace s5  }
0x95: {  	s5 =	sld [smem:$0x3FFC];
	_ =	sdelay $0x3  }
0x96: {  	_ =	strace s5  }
0x97: {  	s5 =	sld [smem:$0x3FFD];
	_ =	sdelay $0x3  }
0x98: {  	_ =	strace s5  }
0x99: {  	_ =	strace $0x8FFFFFFF  }
0x9a: {  	s19 =	sld [smem:$0x3FDB];
	_ =	sdelay $0x1  }
0x9b: {  	s6 =	simm.s32 $_scs_section_size  }
0x9c: {  	s7 =	simm.s32 $_size__tile_overlayer_lowered;
	s8 =	simm.s32 $_tile_overlayer_lowered  }
0x9d: {  	s22 =	simm.s32 $0x1BFF;
	s21 =	sshll.u32 s8, $0x1;
	s5 =	sadd.s32 s6, s19  }
0x9e: {  	s9 =	simm.s32 $0x0;
	s20 =	sshll.u32 s7, $0x1;
	s7 =	sadd.s32 s21, s5  }
0x9f: {  	[timem:s9], [sflag:s22] =	dma.local [hbm:s7], s20  }
0xa0: {  	_ =	swait.ge [sflag:s22], s20  }
0xa1: {  	s6 =	ssub.s32 $0x0, s20;
	[sflag:s22] =	ssyncset.done $0x0  }
0xa2: {  	[sflag:s22] =	ssyncadd.s32 s6;
	_ =	sdelay $0x1  }
0xa3: {  	s23 =	simm.s32 $0x1B8B  }
0xa4: {  	_ =	swait.ge [sflag:s23], $0x1  }
0xa5: {  	[sflag:s23] =	ssyncset.done $0x0  }
0xa6: {  	s25 =	simm.s32 $0x1B8E;
	s24 =	sld [smem:$0x3FFE];
	[sflag:s23] =	ssyncadd.s32 $0xFFFFFFFF  }
0xa7: {  	s26 =	simm.s32 $execute0_lowered;
	[smem:$0x3FD2] =	sst s25  }
0xa8: {  	s7 =	sshll.u32 s26, $0x1;
	_ =	strace $0x80000046;
	[dreg:$0x1] =	wrdreg $0xFFFFFFFF  }
0xa9: {  	s28 =	simm.s32 $_size_execute0_lowered;
	s5 =	sadd.s32 s5, s7;
	[dreg:$0x0] =	wrdreg $0x0  }
0xaa: {  	s7 =	sshll.u32 s28, $0x1;
	[dreg:$0x2] =	wrdreg s5  }
0xab: {  	[dreg:$0x3] =	wrdreg s7  }
0xac: {  	[dreg:$0x4] =	wrdreg $0xC0  }
0xad: {  	_ =	task [dreg:s9], $0x5FFFF  }
0xae: {  	[dreg:$0x1] =	wrdreg $0xFFFFFFFF  }
0xaf: {  	[dreg:$0x0] =	wrdreg $0x60  }
0xb0: {  	[dreg:$0x2] =	wrdreg s2  }
0xb1: {  	[dreg:$0x3] =	wrdreg s18  }
0xb2: {  	[dreg:$0x4] =	wrdreg s24  }
0xb3: {  	[dreg:$0x5] =	wrdreg s4  }
0xb4: {  	[dreg:$0x6] =	wrdreg $0x9  }
0xb5: {  	_ =	task.clear_ibuf [dreg:s9], $0x7FFFF;
	_ =	strace $0x90000046  }
0xb6: {  	s29 =	simm.s32 $0x9;
	_ =	strace $0x80000048  }
0xb7: {  	_ =	swait.ge [sflag:s29], $0x1  }
0xb8: {  	[sflag:s29] =	ssyncadd.s32 $0xFFFFFFFF  }
0xb9: {  	_ =	strace $0x90000048  }
0xba: {  	_ =	sfence  }
0xbb: {  	s30 =	sld [smem:$0x0];
	_ =	sdelay $0x2  }
0xbc: {  	s31 =	sshll.u32 s1, $0xD;
	s1 =	sshrl.u32 s1, $0x2  }
0xbd: {  	s3 =	sand.u32 $0x4000, s31;
	s1 =	sadd.s32 s1, s30  }
0xbe: {  	s0 =	sor.u32 s3, s0;
	s1 =	sshll.u32 s1, $0x11  }
0xbf: {  	s0 =	sor.u32 s1, s0  }
0xc0: {  	s0 =	sadd.s32 $0x8F2B, s0  }
0xc1: {  	[sflag:s0] =	ssyncadd.remote.s32 $0x1  }
0xc2: {  	_ =	sfence.sel $0xFFFF  }
0xc3: {  	[dreg:$0x0] =	wrdreg $0xFFFFFFFF;
	(pc) =	sbr.abs _section_cstart, $3  }
0xc4: {  	[dreg:$0x1] =	wrdreg $0xFFFFFFFF  }
0xc5: {  	_ =	task.clear_ibuf [dreg:s9], $0x2FFFF;
	_ =	strace $0x9FFFFFFF  }
0xc6: {  	(tm) =	ssettm $0x7FFFFFFF  }
0xc7: {  	_ =	shalt  }
tec
execute0_lowered:
.L_overlay_start_1:
0x0: {  	(tag) =	ssettag $0x1  }
0x1: {  	s4 =	rddreg [dreg:$0x0]  }
0x2: {  	s6 =	rddreg [dreg:$0x1]  }
0x3: {  	s3 =	rddreg [dreg:$0x2]  }
0x4: {  	s5 =	rddreg [dreg:$0x3]  }
0x5: {  	s1 =	stileid.u32;
	s0 =	rddreg [dreg:$0x4];
	s2 =	simm.s32 $0x0  }
0x6: {  	s8 =	srdreg.scid;
	s13 =	simm.s32 $0x1;
	s14 =	simm.s32 $0x2  }
0x7: {  	s15 =	simm.s32 $0x1A6A0;
	s16 =	simm.s32 $0x3;
	s17 =	simm.s32 $0x4  }
0x8: {  	s18 =	simm.s32 $0x0;
	s7 =	smul.u32 $0x30D4, s1;
	[smem:$0x7FF] =	sst s2  }
0x9: {  	s8 =	sand.u32 $0x1, s8;
	s10 =	sshll.u32 s1, $0xB;
	s12 =	smul.u32 $0x7D, s1  }
0xa: {  	_ =	strace $0x80000047;
	s9 =	sshll.u32 s8, $0xA;
	s8 =	ssub.s32 $0x2, s8  }
0xb: {  	s7 =	sadd.s32 s7, s3;
	s10 =	sor.u32 s9, s10;
	s11 =	sshrl.u32 s8, $0x1  }
0xc: {  	s4 =	sadd.s32 s4, s9;
	s5 =	sadd.s32 s5, s12;
	s6 =	sadd.s32 s6, s9  }
0xd: {  	s12 =	simm.s32 $0x1CA88;
	s10 =	sadd.s32 s10, s3;
	s11 =	ssub.s32 s8, s11  }
0xe: {  	s3 =	sadd.s32 $0x3400, s7;
	s7 =	sadd.s32 $0x34200, s10;
	s8 =	sadd.s32 $0x3C200, s10  }
0xf: {  	s9 =	smax.u32 s11, $0x1;
	s10 =	simm.s32 $0x186A0;
	s11 =	simm.s32 $0x1C6A0  }
.LBB2_1:
0x10: {  	[tilespmem:s2], [sflag:$0x1] =	stream.linear.gather [hbm4b:s3+s2], $0x186A0, $0x38;
	[tilespmem:$0x1EA88] =	vst v63  }
0x11: {  	_ = 	snop  }
0x12: {  	[tilespmem:s10], [sflag:$0x2] =	stream.linear.gather [hbm4b:s4+s2], $0x2000, $0x38;
	[tilespmem:$0x1EA88] =	vst v63  }
0x13: {  	_ = 	snop  }
0x14: {  	[tilespmem:s11], [sflag:$0x3] =	stream.linear.gather [hbm4b:s5+s2], $0x3E8, $0x38;
	[tilespmem:$0x1EA88] =	vst v63  }
0x15: {  	_ = 	snop  }
0x16: {  	[tilespmem:s12], [sflag:$0x4] =	stream.linear.gather [hbm4b:s6+s2], $0x2000, $0x38;
	[tilespmem:$0x1EA88] =	vst v63  }
0x17: {  	_ =	swait.ge [sflag:s13], $0x186A0  }
0x18: {  	[sflag:s13] =	ssyncset.done $0x0  }
0x19: {  	[sflag:s13] =	ssyncadd.s32 $0xFFFE7960  }
0x1a: {  	_ =	swait.ge [sflag:s14], $0x2000  }
0x1b: {  	[sflag:s14] =	ssyncset.done $0x0  }
0x1c: {  	s19 =	simm.s32 $0x0;
	[sflag:s14] =	ssyncadd.s32 $0xFFFFE000  }
0x1d: {  	v0 =	vld [tilespmem:s19+$0x186A0];
	_ =	sdelay $0x5  }
0x1e: {  	v1 =	vld [tilespmem:s19+$0x186B0];
	_ =	sdelay $0x1  }
0x1f: {  	v0 =	vld.idx.msk [tilespmem:v0+s2+$0x0], $0xffff;
	_ =	sdelay $0x4  }
0x20: {  	[tilespmem:s19+$0x1A6A0] =	vst v0;
	v0 =	vld [tilespmem:s19+$0x186C0]  }
0x21: {  	v1 =	vld.idx.msk [tilespmem:v1+s2+$0x0], $0xffff;
	_ =	sdelay $0x4  }
0x22: {  	[tilespmem:s19+$0x1A6B0] =	vst v1;
	v1 =	vld [tilespmem:s19+$0x186D0];
	_ =	sdelay $0x1  }
0x23: {  	v0 =	vld.idx.msk [tilespmem:v0+s2+$0x0], $0xffff;
	_ =	sdelay $0x4  }
0x24: {  	[tilespmem:s19+$0x1A6C0] =	vst v0;
	v0 =	vld [tilespmem:s19+$0x186E0]  }
0x25: {  	v1 =	vld.idx.msk [tilespmem:v1+s2+$0x0], $0xffff;
	_ =	sdelay $0x4  }
0x26: {  	[tilespmem:s19+$0x1A6D0] =	vst v1;
	v1 =	vld [tilespmem:s19+$0x186F0];
	_ =	sdelay $0x1  }
0x27: {  	v0 =	vld.idx.msk [tilespmem:v0+s2+$0x0], $0xffff;
	_ =	sdelay $0x4  }
0x28: {  	v2 =	vld [tilespmem:s19+$0x18700];
	[tilespmem:s19+$0x1A6E0] =	vst v0  }
0x29: {  	v0 =	vld.idx.msk [tilespmem:v1+s2+$0x0], $0xffff;
	_ =	sdelay $0x4  }
0x2a: {  	[tilespmem:s19+$0x1A6F0] =	vst v0;
	v0 =	vld [tilespmem:s19+$0x18710];
	_ =	sdelay $0x1  }
0x2b: {  	v1 =	vld.idx.msk [tilespmem:v2+s2+$0x0], $0xffff;
	_ =	sdelay $0x3  }
0x2c: {  	s21 =	simm.s32 $0x80;
	s20 =	simm.s32 $0x400  }
.LBB2_2:
0x2d: {  	p0 =	sne.s32 s20, $0x7E00;
	v2 =	vld [tilespmem:s21+$0x186A0];
	[tilespmem:s19+$0x1A700] =	vst v1  }
0x2e: {  	v0 =	vld.idx.msk [tilespmem:v0+s2+$0x0], $0xffff;
	_ =	sdelay $0x5  }
0x2f: {  	v1 =	vld [tilespmem:s21+$0x186B0];
	[tilespmem:s19+$0x1A710] =	vst v0;
	s19 =	smov.u32 s21  }
0x30: {  	v0 =	vld.idx.msk [tilespmem:v2+s2+$0x0], $0xffff;
	_ =	sdelay $0x5  }
0x31: {  	[tilespmem:s19+$0x1A6A0] =	vst v0;
	v0 =	vld [tilespmem:s19+$0x186C0]  }
0x32: {  	v1 =	vld.idx.msk [tilespmem:v1+s2+$0x0], $0xffff;
	_ =	sdelay $0x5  }
0x33: {  	[tilespmem:s19+$0x1A6B0] =	vst v1;
	v1 =	vld [tilespmem:s19+$0x186D0]  }
0x34: {  	v0 =	vld.idx.msk [tilespmem:v0+s2+$0x0], $0xffff;
	_ =	sdelay $0x5  }
0x35: {  	[tilespmem:s19+$0x1A6C0] =	vst v0;
	v0 =	vld [tilespmem:s19+$0x186E0]  }
0x36: {  	v1 =	vld.idx.msk [tilespmem:v1+s2+$0x0], $0xffff;
	_ =	sdelay $0x5  }
0x37: {  	[tilespmem:s19+$0x1A6D0] =	vst v1;
	v1 =	vld [tilespmem:s19+$0x186F0]  }
0x38: {  	v0 =	vld.idx.msk [tilespmem:v0+s2+$0x0], $0xffff;
	_ =	sdelay $0x5  }
0x39: {  	[tilespmem:s19+$0x1A6E0] =	vst v0;
	v2 =	vld [tilespmem:s19+$0x18700]  }
0x3a: {  	v0 =	vld.idx.msk [tilespmem:v1+s2+$0x0], $0xffff;
	_ =	sdelay $0x5  }
0x3b: {  	[tilespmem:s19+$0x1A6F0] =	vst v0;
	v0 =	vld [tilespmem:s19+$0x18710]  }
0x3c: {  	v1 =	vld.idx.msk [tilespmem:v2+s2+$0x0], $0xffff  }
.Ltmp0:
0x3d: {  	(pc) =	sbr.rel @p0 .LBB2_2-.Ltmp0, $2  }
0x3e: {  	_ =	sdelay $0x2  }
0x3f: {  	s21 =	sshra.s32 s20, $0x2;
	s20 =	sadd.s32 $0x200, s20  }
0x40: {  	_ =	sdelay $0x1  }
0x41: {  	v2 =	vld [tilespmem:s21+$0x186A0]  }
0x42: {  	[tilespmem:s19+$0x1A700] =	vst v1  }
0x43: {  	v0 =	vld.idx.msk [tilespmem:v0+s2+$0x0], $0xffff;
	_ =	sdelay $0x3  }
0x44: {  	v1 =	vld [tilespmem:s21+$0x186B0]  }
0x45: {  	[tilespmem:s19+$0x1A710] =	vst v0  }
0x46: {  	v0 =	vld.idx.msk [tilespmem:v2+s2+$0x0], $0xffff;
	_ =	sdelay $0x4  }
0x47: {  	[tilespmem:s21+$0x1A6A0] =	vst v0;
	v0 =	vld [tilespmem:s21+$0x186C0]  }
0x48: {  	v1 =	vld.idx.msk [tilespmem:v1+s2+$0x0], $0xffff;
	_ =	sdelay $0x4  }
0x49: {  	[tilespmem:s21+$0x1A6B0] =	vst v1;
	v1 =	vld [tilespmem:s21+$0x186D0];
	_ =	sdelay $0x1  }
0x4a: {  	v0 =	vld.idx.msk [tilespmem:v0+s2+$0x0], $0xffff;
	_ =	sdelay $0x4  }
0x4b: {  	[tilespmem:s21+$0x1A6C0] =	vst v0;
	v0 =	vld [tilespmem:s21+$0x186E0]  }
0x4c: {  	v1 =	vld.idx.msk [tilespmem:v1+s2+$0x0], $0xffff;
	_ =	sdelay $0x4  }
0x4d: {  	[tilespmem:s21+$0x1A6D0] =	vst v1;
	v1 =	vld [tilespmem:s21+$0x186F0];
	_ =	sdelay $0x1  }
0x4e: {  	v0 =	vld.idx.msk [tilespmem:v0+s2+$0x0], $0xffff;
	_ =	sdelay $0x4  }
0x4f: {  	[tilespmem:s21+$0x1A6E0] =	vst v0;
	v0 =	vld [tilespmem:s21+$0x18700]  }
0x50: {  	v1 =	vld.idx.msk [tilespmem:v1+s2+$0x0], $0xffff;
	_ =	sdelay $0x4  }
0x51: {  	[tilespmem:s21+$0x1A6F0] =	vst v1;
	v1 =	vld [tilespmem:s21+$0x18710];
	_ =	sdelay $0x1  }
0x52: {  	v0 =	vld.idx.msk [tilespmem:v0+s2+$0x0], $0xffff;
	_ =	sdelay $0x4  }
0x53: {  	[tilespmem:s21+$0x1A700] =	vst v0  }
0x54: {  	v0 =	vld.idx.msk [tilespmem:v1+s2+$0x0], $0xffff;
	_ =	sdelay $0x4  }
0x55: {  	s31 =	simm.s32 $0x0;
	[tilespmem:s21+$0x1A710] =	vst v0  }
0x56: {  	[hbm4b:s7+s31] =	stream.linear.scatter [tilespmem:s15], [sflag:$0x1], $0x2000, $0x38;
	[tilespmem:$0x1EA88] =	vst v63  }
0x57: {  	_ =	swait.ge [sflag:s13], $0x2000  }
0x58: {  	[sflag:s13] =	ssyncset.done $0x0  }
0x59: {  	[sflag:s13] =	ssyncadd.s32 $0xFFFFE000  }
0x5a: {  	_ =	swait.ge [sflag:s16], $0x3E8  }
0x5b: {  	[sflag:s16] =	ssyncset.done $0x0  }
0x5c: {  	[sflag:s16] =	ssyncadd.s32 $0xFFFFFC18  }
0x5d: {  	_ =	swait.ge [sflag:s17], $0x2000  }
0x5e: {  	[sflag:s17] =	ssyncset.done $0x0  }
0x5f: {  	s19 =	simm.s32 $0x0;
	[sflag:s17] =	ssyncadd.s32 $0xFFFFE000  }
0x60: {  	v0 =	vld [tilespmem:s19+$0x1CA88];
	_ =	sdelay $0x5  }
0x61: {  	v1 =	vld [tilespmem:s19+$0x1CA98];
	_ =	sdelay $0x1  }
0x62: {  	v0 =	vld.idx.msk [tilespmem:v0+s11+$0x0], $0xffff;
	_ =	sdelay $0x4  }
0x63: {  	[tilespmem:s19+$0x1A6A0] =	vst v0;
	v0 =	vld [tilespmem:s19+$0x1CAA8]  }
0x64: {  	v1 =	vld.idx.msk [tilespmem:v1+s11+$0x0], $0xffff;
	_ =	sdelay $0x4  }
0x65: {  	[tilespmem:s19+$0x1A6B0] =	vst v1;
	v1 =	vld [tilespmem:s19+$0x1CAB8];
	_ =	sdelay $0x1  }
0x66: {  	v0 =	vld.idx.msk [tilespmem:v0+s11+$0x0], $0xffff;
	_ =	sdelay $0x4  }
0x67: {  	[tilespmem:s19+$0x1A6C0] =	vst v0;
	v0 =	vld [tilespmem:s19+$0x1CAC8]  }
0x68: {  	v1 =	vld.idx.msk [tilespmem:v1+s11+$0x0], $0xffff;
	_ =	sdelay $0x4  }
0x69: {  	[tilespmem:s19+$0x1A6D0] =	vst v1;
	v1 =	vld [tilespmem:s19+$0x1CAD8];
	_ =	sdelay $0x1  }
0x6a: {  	v0 =	vld.idx.msk [tilespmem:v0+s11+$0x0], $0xffff;
	_ =	sdelay $0x4  }
0x6b: {  	v2 =	vld [tilespmem:s19+$0x1CAE8];
	[tilespmem:s19+$0x1A6E0] =	vst v0  }
0x6c: {  	v0 =	vld.idx.msk [tilespmem:v1+s11+$0x0], $0xffff;
	_ =	sdelay $0x4  }
0x6d: {  	[tilespmem:s19+$0x1A6F0] =	vst v0;
	v0 =	vld [tilespmem:s19+$0x1CAF8];
	_ =	sdelay $0x1  }
0x6e: {  	v1 =	vld.idx.msk [tilespmem:v2+s11+$0x0], $0xffff;
	_ =	sdelay $0x3  }
0x6f: {  	s20 =	simm.s32 $0x400;
	s21 =	simm.s32 $0x80  }
.LBB2_4:
0x70: {  	p0 =	sne.s32 s20, $0x7E00;
	v2 =	vld [tilespmem:s21+$0x1CA88];
	[tilespmem:s19+$0x1A700] =	vst v1  }
0x71: {  	v0 =	vld.idx.msk [tilespmem:v0+s11+$0x0], $0xffff;
	_ =	sdelay $0x5  }
0x72: {  	v1 =	vld [tilespmem:s21+$0x1CA98];
	[tilespmem:s19+$0x1A710] =	vst v0;
	s19 =	smov.u32 s21  }
0x73: {  	v0 =	vld.idx.msk [tilespmem:v2+s11+$0x0], $0xffff;
	_ =	sdelay $0x5  }
0x74: {  	[tilespmem:s19+$0x1A6A0] =	vst v0;
	v0 =	vld [tilespmem:s19+$0x1CAA8]  }
0x75: {  	v1 =	vld.idx.msk [tilespmem:v1+s11+$0x0], $0xffff;
	_ =	sdelay $0x5  }
0x76: {  	[tilespmem:s19+$0x1A6B0] =	vst v1;
	v1 =	vld [tilespmem:s19+$0x1CAB8]  }
0x77: {  	v0 =	vld.idx.msk [tilespmem:v0+s11+$0x0], $0xffff;
	_ =	sdelay $0x5  }
0x78: {  	[tilespmem:s19+$0x1A6C0] =	vst v0;
	v0 =	vld [tilespmem:s19+$0x1CAC8]  }
0x79: {  	v1 =	vld.idx.msk [tilespmem:v1+s11+$0x0], $0xffff;
	_ =	sdelay $0x5  }
0x7a: {  	[tilespmem:s19+$0x1A6D0] =	vst v1;
	v1 =	vld [tilespmem:s19+$0x1CAD8]  }
0x7b: {  	v0 =	vld.idx.msk [tilespmem:v0+s11+$0x0], $0xffff;
	_ =	sdelay $0x5  }
0x7c: {  	[tilespmem:s19+$0x1A6E0] =	vst v0;
	v2 =	vld [tilespmem:s19+$0x1CAE8]  }
0x7d: {  	v0 =	vld.idx.msk [tilespmem:v1+s11+$0x0], $0xffff;
	_ =	sdelay $0x5  }
0x7e: {  	[tilespmem:s19+$0x1A6F0] =	vst v0;
	v0 =	vld [tilespmem:s19+$0x1CAF8]  }
0x7f: {  	v1 =	vld.idx.msk [tilespmem:v2+s11+$0x0], $0xffff  }
.Ltmp1:
0x80: {  	(pc) =	sbr.rel @p0 .LBB2_4-.Ltmp1, $2  }
0x81: {  	_ =	sdelay $0x2  }
0x82: {  	s21 =	sshra.s32 s20, $0x2;
	s20 =	sadd.s32 $0x200, s20  }
0x83: {  	_ =	sdelay $0x1  }
0x84: {  	v2 =	vld [tilespmem:s21+$0x1CA88]  }
0x85: {  	[tilespmem:s19+$0x1A700] =	vst v1  }
0x86: {  	v0 =	vld.idx.msk [tilespmem:v0+s11+$0x0], $0xffff;
	_ =	sdelay $0x3  }
0x87: {  	v1 =	vld [tilespmem:s21+$0x1CA98]  }
0x88: {  	[tilespmem:s19+$0x1A710] =	vst v0  }
0x89: {  	v0 =	vld.idx.msk [tilespmem:v2+s11+$0x0], $0xffff;
	_ =	sdelay $0x3  }
0x8a: {  	v58 =	vld [tilespmem:s21+$0x1CAA8]  }
0x8b: {  	[tilespmem:s21+$0x1A6A0] =	vst v0  }
0x8c: {  	v1 =	vld.idx.msk [tilespmem:v1+s11+$0x0], $0xffff;
	_ =	sdelay $0x3  }
0x8d: {  	v59 =	vld [tilespmem:s21+$0x1CAB8]  }
0x8e: {  	[tilespmem:s21+$0x1A6B0] =	vst v1  }
0x8f: {  	v0 =	vld.idx.msk [tilespmem:v58+s11+$0x0], $0xffff;
	_ =	sdelay $0x3  }
0x90: {  	v60 =	vld [tilespmem:s21+$0x1CAC8]  }
0x91: {  	[tilespmem:s21+$0x1A6C0] =	vst v0  }
0x92: {  	v1 =	vld.idx.msk [tilespmem:v59+s11+$0x0], $0xffff;
	_ =	sdelay $0x3  }
0x93: {  	v61 =	vld [tilespmem:s21+$0x1CAD8]  }
0x94: {  	[tilespmem:s21+$0x1A6D0] =	vst v1  }
0x95: {  	v0 =	vld.idx.msk [tilespmem:v60+s11+$0x0], $0xffff;
	_ =	sdelay $0x3  }
0x96: {  	v62 =	vld [tilespmem:s21+$0x1CAE8]  }
0x97: {  	[tilespmem:s21+$0x1A6E0] =	vst v0  }
0x98: {  	v1 =	vld.idx.msk [tilespmem:v61+s11+$0x0], $0xffff;
	_ =	sdelay $0x3  }
0x99: {  	v63 =	vld [tilespmem:s21+$0x1CAF8]  }
0x9a: {  	[tilespmem:s21+$0x1A6F0] =	vst v1  }
0x9b: {  	v0 =	vld.idx.msk [tilespmem:v62+s11+$0x0], $0xffff;
	_ =	sdelay $0x4  }
0x9c: {  	[tilespmem:s21+$0x1A700] =	vst v0  }
0x9d: {  	v0 =	vld.idx.msk [tilespmem:v63+s11+$0x0], $0xffff;
	_ =	sdelay $0x2  }
0x9e: {  	s18 =	sadd.s32 $0x1, s18  }
0x9f: {  	p0 =	sne.s32 s18, s9  }
.Ltmp2:
0xa0: {  	[tilespmem:s21+$0x1A710] =	vst v0;
	(pc) =	sbr.rel @p0 .LBB2_1-.Ltmp2, $4  }
0xa1: {  	[hbm4b:s8+s2] =	stream.linear.scatter [tilespmem:s15], [sflag:$0x1], $0x2000, $0x38;
	[tilespmem:$0x1EA88] =	vst v63  }
0xa2: {  	_ =	swait.ge [sflag:s13], $0x2000  }
0xa3: {  	[sflag:s13] =	ssyncset.done $0x0  }
0xa4: {  	[sflag:s13] =	ssyncadd.s32 $0xFFFFE000  }
0xa5: {  	_ =	sfence.sel $0x180000  }
0xa6: {  	[bflag:$0x0] =	sbarrier.arrive $0xFFFF  }
0xa7: {  	p0 =	sne.s32 s1, $0x0;
	_ =	strace $0x90000047  }
0xa8: {  	s0 =	sadd.s32 @!p0 $0x100000, s0;
	[bflag:$0x2] =	sbarrier.arrive $0xFFFF  }
0xa9: {  	[sflag:s0] =	ssyncadd.tile.s32 @!p0 $0x1;
	_ =	shalt  }
.Lfunc_end2:
_tile_overlayer_lowered:
.L_overlay_start_2:
0xaa: {  	(tag) =	ssettag $0x2  }
0xab: {  	s0 =	rddreg [dreg:$0x0];
	s2 =	stileid.u32  }
0xac: {  	s1 =	rddreg [dreg:$0x1];
	p0 =	sne.s32 s2, $0x0  }
0xad: {  	s3 =	rddreg [dreg:$0x2];
	[bflag:$0x3] =	sbarrier.arrive $0xFFFF;
	s2 =	simm.s32 @!p0 $0x1C05  }
0xae: {  	[timem:s3], [sflag:s2] =	dma.local @!p0 [hbm:s0], s1  }
0xaf: {  	s0 =	simm.s32 @!p0 $0x5  }
0xb0: {  	_ =	swait.ge @!p0 [sflag:s0], s1  }
0xb1: {  	s1 =	ssub.s32 @!p0 $0x0, s1;
	[sflag:s0] =	ssyncset.done @!p0 $0x0  }
0xb2: {  	[sflag:s0] =	ssyncadd.s32 @!p0 s1  }
0xb3: {  	[bflag:$0x3] =	sbarrier.arrive $0xFFFF  }
0xb4: {  	_ =	shalt  }

// kernel: kernel.9.cloned.1.call-start
scs
__scs_entry_jumppad:
0x0: {  	(pc) =	sbr.rel $0x88, $3  }
0x1: {  	(tag) =	ssettag $0x0;
	lr =	simm.s32 $0x1  }
0x2: {  	[smem:$0x3F93] =	sst lr;
	_ =	strace $0xD0000000  }
0x3: {  	_ = 	snop  }
0x4: {  	_ = 	snop  }
0x5: {  	_ = 	snop  }
0x6: {  	_ = 	snop  }
0x7: {  	_ = 	snop  }
__scs_overlays_trampoline_lowered:
0x8: {  	[smem:$0x3FA2] =	sst s0  }
0x9: {  	[smem:$0x3FA3] =	sst s1  }
0xa: {  	[smem:$0x3FA4] =	sst s2  }
0xb: {  	[smem:$0x3FA5] =	sst s3  }
0xc: {  	[smem:$0x3FA6] =	sst s4  }
0xd: {  	[smem:$0x3FA7] =	sst s5  }
0xe: {  	[smem:$0x3FA8] =	sst s6  }
0xf: {  	[smem:$0x3FA9] =	sst s7  }
0x10: {  	[smem:$0x3FAA] =	sst s8  }
0x11: {  	[smem:$0x3FAB] =	sst s9;
	s0 =	simm.s32 @!p0 $0x0  }
0x12: {  	s1 =	sld [smem:$0x3F91];
	s0 =	simm.s32 @p0 $0x1  }
0x13: {  	[smem:$0x3FAC] =	sst s0;
	s0 =	simm.s32 @!p1 $0x0  }
0x14: {  	s2 =	sld [smem:$0x3F90];
	s0 =	simm.s32 @p1 $0x1  }
0x15: {  	[smem:$0x3FAD] =	sst s0;
	s0 =	simm.s32 @!p2 $0x0  }
0x16: {  	s3 =	sld [smem:$0x3FDB];
	s0 =	simm.s32 @p2 $0x1  }
0x17: {  	s4 =	simm.s32 $0x1BF5;
	[smem:$0x3FAF] =	sst s0  }
0x18: {  	s0 =	sld [smem:$0x3F92];
	_ =	swait.ge [sflag:s4], $0x0  }
0x19: {  	s7 =	sld [smem:$0x3F93]  }
0x1a: {  	s8 =	sadd.s32 $0xFFFFE003, lr  }
0x1b: {  	s9 =	sadd.s32 $0xFFFFFEF7, lr;
	s5 =	simm.s32 $0xFFFFFFFF;
	p2 =	slt.u32 s8, $0xFFFFF086  }
0x1c: {  	p1 =	slt.u32 s9, $0xF7A;
	s5 =	simm.s32 @!p2 $0x0  }
0x1d: {  	s5 =	simm.s32 @p1 $0x1;
	p0 =	seq.s32 s7, s2  }
0x1e: {  	s7 =	smul.u32 @!p0 $0xF7A, s2;
	p2 =	seq.s32 @!p0 s5, $0x0  }
0x1f: {  	s9 =	smul.u32 $0xF7A, s1;
	s8 =	simm.s32 @!p0 $0x1BF5;
	p2 =	por !p2, p0  }
0x20: {  	[sflag:s8] =	ssyncset.s32 @!p0 $0xFFFFF086;
	s6 =	sadd.s32 @!p0 s3, s7;
	s7 =	simm.s32 @!p0 $0x108  }
0x21: {  	s3 =	sadd.s32 s3, s9;
	s6 =	sadd.s32 @!p0 $0x88, s6;
	s7 =	simm.s32 @p2 $0x1082  }
0x22: {  	[simem:s7], [sflag:s8] =	dma.local @!p0 [hbm:s6], $0xF7A  }
0x23: {  	s9 =	sor.u32 $0xD0000000, s2;
	s6 =	simm.s32 $0x108;
	_ =	swait.ge @!p0 [sflag:s8], $0x0  }
0x24: {  	s3 =	sadd.s32 $0x88, s3;
	s6 =	simm.s32 @!p1 $0x1082;
	[sflag:s4] =	ssyncset.s32 $0xFFFFF086  }
0x25: {  	[simem:s6], [sflag:s4] =	dma.local [hbm:s3], $0xF7A  }
0x26: {  	[smem:$0x3F93] =	sst s1;
	(tag) =	ssettag s2;
	_ =	strace s9  }
0x27: {  	s1 =	sld [smem:$0x3FA3]  }
0x28: {  	s2 =	sld [smem:$0x3FA4]  }
0x29: {  	s4 =	sld [smem:$0x3FA6]  }
0x2a: {  	p0 =	seq.s32 s5, $0x0;
	s5 =	sld [smem:$0x3FA7]  }
0x2b: {  	s6 =	sld [smem:$0x3FA8]  }
0x2c: {  	s7 =	sld [smem:$0x3FA9]  }
0x2d: {  	s3 =	simm.s32 $0x108;
	s8 =	sld [smem:$0x3FAA]  }
0x2e: {  	s3 =	simm.s32 @!p0 $0x1082;
	s9 =	sld [smem:$0x3FAB]  }
0x2f: {  	lr =	sadd.s32 s0, s3;
	s0 =	sld [smem:$0x3FA2]  }
0x30: {  	s3 =	sld [smem:$0x3FA5]  }
0x31: {  	[smem:$0x3FAE] =	sst s10  }
0x32: {  	s10 =	sld [smem:$0x3FAC];
	_ =	sdelay $0x3  }
0x33: {  	p0 =	seq.s32 s10, $0x1;
	s10 =	sld [smem:$0x3FAE];
	_ =	sdelay $0x3  }
0x34: {  	[smem:$0x3FAE] =	sst s10  }
0x35: {  	s10 =	sld [smem:$0x3FAD];
	_ =	sdelay $0x3  }
0x36: {  	p1 =	seq.s32 s10, $0x1;
	s10 =	sld [smem:$0x3FAE];
	_ =	sdelay $0x3  }
0x37: {  	[smem:$0x3FAE] =	sst s10  }
0x38: {  	s10 =	sld [smem:$0x3FAF]  }
0x39: {  	_ = 	snop;
	(pc) =	sbr.ind lr, $3  }
0x3a: {  	_ = 	snop  }
0x3b: {  	_ = 	snop  }
0x3c: {  	p2 =	seq.s32 s10, $0x1;
	s10 =	sld [smem:$0x3FAE]  }
0x3d: {  	_ =	shalt  }
0x3e: {  	_ =	shalt  }
0x3f: {  	_ =	shalt  }
0x40: {  	_ =	shalt  }
0x41: {  	_ =	shalt  }
0x42: {  	_ =	shalt  }
0x43: {  	_ =	shalt  }
0x44: {  	_ =	shalt  }
0x45: {  	_ =	shalt  }
0x46: {  	_ =	shalt  }
0x47: {  	_ =	shalt  }
0x48: {  	_ =	shalt  }
0x49: {  	_ =	shalt  }
0x4a: {  	_ =	shalt  }
0x4b: {  	_ =	shalt  }
0x4c: {  	_ =	shalt  }
0x4d: {  	_ =	shalt  }
0x4e: {  	_ =	shalt  }
0x4f: {  	_ =	shalt  }
0x50: {  	_ =	shalt  }
0x51: {  	_ =	shalt  }
0x52: {  	_ =	shalt  }
0x53: {  	_ =	shalt  }
0x54: {  	_ =	shalt  }
0x55: {  	_ =	shalt  }
0x56: {  	_ =	shalt  }
0x57: {  	_ =	shalt  }
0x58: {  	_ =	shalt  }
0x59: {  	_ =	shalt  }
0x5a: {  	_ =	shalt  }
0x5b: {  	_ =	shalt  }
0x5c: {  	_ =	shalt  }
0x5d: {  	_ =	shalt  }
0x5e: {  	_ =	shalt  }
0x5f: {  	_ =	shalt  }
0x60: {  	_ =	shalt  }
0x61: {  	_ =	shalt  }
0x62: {  	_ =	shalt  }
0x63: {  	_ =	shalt  }
0x64: {  	_ =	shalt  }
0x65: {  	_ =	shalt  }
0x66: {  	_ =	shalt  }
0x67: {  	_ =	shalt  }
0x68: {  	_ =	shalt  }
0x69: {  	_ =	shalt  }
0x6a: {  	_ =	shalt  }
0x6b: {  	_ =	shalt  }
0x6c: {  	_ =	shalt  }
0x6d: {  	_ =	shalt  }
0x6e: {  	_ =	shalt  }
0x6f: {  	_ =	shalt  }
0x70: {  	_ =	shalt  }
0x71: {  	_ =	shalt  }
0x72: {  	_ =	shalt  }
0x73: {  	_ =	shalt  }
0x74: {  	_ =	shalt  }
0x75: {  	_ =	shalt  }
0x76: {  	_ =	shalt  }
0x77: {  	_ =	shalt  }
0x78: {  	_ =	shalt  }
0x79: {  	_ =	shalt  }
0x7a: {  	_ =	shalt  }
0x7b: {  	_ =	shalt  }
0x7c: {  	_ =	shalt  }
0x7d: {  	_ =	shalt  }
0x7e: {  	_ =	shalt  }
0x7f: {  	_ =	shalt  }
0x80: {  	_ =	shalt  }
0x81: {  	_ =	shalt  }
0x82: {  	_ =	shalt  }
0x83: {  	_ =	shalt  }
0x84: {  	_ =	shalt  }
0x85: {  	_ =	shalt  }
0x86: {  	_ =	shalt  }
0x87: {  	_ =	shalt  }
.Lfunc_end0:
.L_simem_size_0:
called_computation.1_lowered:
.L_overlay_start_0:
0x88: {  	s2 =	sld [smem:$0x3FD9]  }
0x89: {  	s3 =	sld [smem:$0x3FFE];
	_ =	sdelay $0x1  }
0x8a: {  	s1 =	srdreg.scid  }
0x8b: {  	s0 =	sand.u32 $0x1, s1  }
0x8c: {  	s17 =	sshll.u32 s0, $0xA;
	s2 =	sadd.s32 s3, s2  }
0x8d: {  	s2 =	sadd.s32 s2, s17  }
0x8e: {  	[smem:$0x3FBA] =	sst s2  }
0x8f: {  	_ = 	snop  }
0x90: {  	s18 =	sld [smem:$0x3FC8];
	(tm) =	ssettm $0x1  }
0x91: {  	s19 =	sld [smem:$0x3FFB];
	_ =	sdelay $0x3  }
0x92: {  	_ =	strace s19  }
0x93: {  	s2 =	sld [smem:$0x3FFC];
	_ =	sdelay $0x3  }
0x94: {  	_ =	strace s2  }
0x95: {  	s2 =	sld [smem:$0x3FFD];
	_ =	sdelay $0x3  }
0x96: {  	_ =	strace s2  }
0x97: {  	_ =	strace $0x8FFFFFFF  }
0x98: {  	s20 =	sld [smem:$0x3FDB];
	_ =	sdelay $0x1  }
0x99: {  	s4 =	simm.s32 $_scs_section_size  }
0x9a: {  	s5 =	simm.s32 $_size__tile_overlayer_lowered;
	s6 =	simm.s32 $_tile_overlayer_lowered  }
0x9b: {  	s7 =	simm.s32 $0x1BFF;
	s21 =	sshll.u32 s6, $0x1;
	s4 =	sadd.s32 s4, s20  }
0x9c: {  	s22 =	simm.s32 $0x0;
	s5 =	sshll.u32 s5, $0x1;
	s6 =	sadd.s32 s21, s4  }
0x9d: {  	[timem:s22], [sflag:s7] =	dma.local [hbm:s6], s5  }
0x9e: {  	_ =	swait.ge [sflag:s7], s5  }
0x9f: {  	s5 =	ssub.s32 $0x0, s5;
	[sflag:s7] =	ssyncset.done $0x0  }
0xa0: {  	[sflag:s7] =	ssyncadd.s32 s5;
	_ =	sdelay $0x1  }
0xa1: {  	s23 =	simm.s32 $0x1B8B  }
0xa2: {  	_ =	swait.ge [sflag:s23], $0x1  }
0xa3: {  	[sflag:s23] =	ssyncset.done $0x0  }
0xa4: {  	[sflag:s23] =	ssyncadd.s32 $0xFFFFFFFF  }
0xa5: {  	s5 =	sld [smem:$0x0]  }
0xa6: {  	s6 =	sand.u32 $0xFFFFFFFE, s1  }
0xa7: {  	p0 =	sne.s32 s1, s6  }
0xa8: {  	s6 =	sshll.u32 @p0 s6, $0xE  }
0xa9: {  	s6 =	sadd.s32 @p0 $0x11B8D, s6;
	s7 =	sshll.u32 @p0 s5, $0x11  }
0xaa: {  	s6 =	sor.u32 @p0 s7, s6  }
0xab: {  	[sflag:s6] =	ssyncadd.remote.s32 @p0 $0x1;
	_ =	sdelay $0x1  }
0xac: {  	s6 =	simm.s32 @p0 $0x1B8D  }
0xad: {  	_ =	swait.eq @p0 [sflag:s6], $0x1  }
0xae: {  	[sflag:s6] =	ssyncadd.s32 @p0 $0xFFFFFFFF  }
0xaf: {  	s7 =	sshll.u32 @!p0 s1, $0xE  }
0xb0: {  	s7 =	sor.u32 @!p0 $0x4000, s7;
	s6 =	simm.s32 @!p0 $0x1B8D  }
0xb1: {  	s5 =	sshll.u32 @!p0 s5, $0x11;
	s7 =	sadd.s32 @!p0 $0x11B8D, s7;
	_ =	swait.eq @!p0 [sflag:s6], $0x1  }
0xb2: {  	s5 =	sor.u32 @!p0 s5, s7;
	[sflag:s6] =	ssyncadd.s32 @!p0 $0xFFFFFFFF  }
0xb3: {  	s25 =	simm.s32 $0x1B8E;
	s24 =	sld [smem:$0x3FFE];
	[sflag:s5] =	ssyncadd.remote.s32 @!p0 $0x1  }
0xb4: {  	s26 =	simm.s32 $execute0_lowered;
	[smem:$0x3FD2] =	sst s25  }
0xb5: {  	s6 =	sshll.u32 s26, $0x1;
	_ =	strace $0x80000049;
	[dreg:$0x1] =	wrdreg $0xFFFFFFFF  }
0xb6: {  	s28 =	simm.s32 $_size_execute0_lowered;
	s4 =	sadd.s32 s4, s6;
	[dreg:$0x0] =	wrdreg $0x0  }
0xb7: {  	s6 =	sshll.u32 s28, $0x1;
	[dreg:$0x2] =	wrdreg s4  }
0xb8: {  	[dreg:$0x3] =	wrdreg s6  }
0xb9: {  	[dreg:$0x4] =	wrdreg $0xC0  }
0xba: {  	_ =	task [dreg:s22], $0x5FFFF  }
0xbb: {  	[dreg:$0x1] =	wrdreg $0xFFFFFFFF  }
0xbc: {  	[dreg:$0x0] =	wrdreg $0x60  }
0xbd: {  	[dreg:$0x2] =	wrdreg s18  }
0xbe: {  	[dreg:$0x3] =	wrdreg s24  }
0xbf: {  	[dreg:$0x4] =	wrdreg $0xA  }
0xc0: {  	_ =	task.clear_ibuf [dreg:s22], $0x5FFFF;
	_ =	strace $0x90000049  }
0xc1: {  	s29 =	simm.s32 $0xA;
	_ =	strace $0x8000004B  }
0xc2: {  	_ =	swait.ge [sflag:s29], $0x1  }
0xc3: {  	[sflag:s29] =	ssyncadd.s32 $0xFFFFFFFF  }
0xc4: {  	_ =	strace $0x9000004B  }
0xc5: {  	_ =	sfence  }
0xc6: {  	s30 =	sld [smem:$0x0];
	_ =	sdelay $0x2  }
0xc7: {  	s31 =	sshll.u32 s1, $0xD;
	s1 =	sshrl.u32 s1, $0x2  }
0xc8: {  	s4 =	sand.u32 $0x4000, s31;
	s1 =	sadd.s32 s1, s30  }
0xc9: {  	s0 =	sor.u32 s4, s0;
	s1 =	sshll.u32 s1, $0x11  }
0xca: {  	s0 =	sor.u32 s1, s0  }
0xcb: {  	s0 =	sadd.s32 $0x8F2B, s0  }
0xcc: {  	[sflag:s0] =	ssyncadd.remote.s32 $0x1  }
0xcd: {  	_ =	sfence.sel $0xFFFF  }
0xce: {  	[dreg:$0x0] =	wrdreg $0xFFFFFFFF;
	(pc) =	sbr.abs _section_cstart, $3  }
0xcf: {  	[dreg:$0x1] =	wrdreg $0xFFFFFFFF  }
0xd0: {  	_ =	task.clear_ibuf [dreg:s22], $0x2FFFF;
	_ =	strace $0x9FFFFFFF  }
0xd1: {  	(tm) =	ssettm $0x7FFFFFFF  }
tec
execute0_lowered:
.L_overlay_start_1:
0x0: {  	(tag) =	ssettag $0x1  }
0x1: {  	s4 =	rddreg [dreg:$0x0]  }
0x2: {  	s3 =	rddreg [dreg:$0x1]  }
0x3: {  	s0 =	rddreg [dreg:$0x2]  }
0x4: {  	s2 =	simm.s32 $0x0;
	s5 =	srdreg.scid;
	s1 =	stileid.u32  }
0x5: {  	s11 =	simm.s32 $0x0;
	[smem:$0x7FF] =	sst s2;
	s5 =	sand.u32 $0x1, s5  }
0x6: {  	s6 =	smul.u32 $0x30D4, s1;
	s10 =	sshll.u32 s1, $0xB;
	s7 =	sshll.u32 s5, $0xA  }
0x7: {  	_ =	strace $0x8000004A;
	s5 =	ssub.s32 $0x2, s5;
	s8 =	sadd.s32 s7, s3  }
0x8: {  	s9 =	sshrl.u32 s5, $0x1;
	s3 =	sadd.s32 s6, s3;
	s4 =	sadd.s32 s4, s7  }
0x9: {  	s7 =	simm.s32 $0x186A0;
	s30 =	ssub.s32 s5, s9;
	s31 =	sadd.s32 s10, s8  }
0xa: {  	s3 =	sadd.s32 $0x44200, s3;
	s8 =	simm.s32 $0x1;
	s9 =	simm.s32 $0x2  }
0xb: {  	s10 =	simm.s32 $0x1A6A0;
	s5 =	sadd.s32 $0x75000, s31;
	s6 =	smax.u32 s30, $0x1  }
.LBB2_1:
0xc: {  	[tilespmem:s2], [sflag:$0x1] =	stream.linear.gather [hbm4b:s3+s2], $0x186A0, $0x38;
	[tilespmem:$0x1C6A0] =	vst v63  }
0xd: {  	_ = 	snop  }
0xe: {  	[tilespmem:s7], [sflag:$0x2] =	stream.linear.gather [hbm4b:s4+s2], $0x2000, $0x38;
	[tilespmem:$0x1C6A0] =	vst v63  }
0xf: {  	_ =	swait.ge [sflag:s8], $0x186A0  }
0x10: {  	[sflag:s8] =	ssyncset.done $0x0  }
0x11: {  	[sflag:s8] =	ssyncadd.s32 $0xFFFE7960  }
0x12: {  	_ =	swait.ge [sflag:s9], $0x2000  }
0x13: {  	[sflag:s9] =	ssyncset.done $0x0  }
0x14: {  	s12 =	simm.s32 $0x0;
	[sflag:s9] =	ssyncadd.s32 $0xFFFFE000  }
0x15: {  	v0 =	vld [tilespmem:s12+$0x186A0];
	_ =	sdelay $0x5  }
0x16: {  	v1 =	vld [tilespmem:s12+$0x186B0];
	_ =	sdelay $0x1  }
0x17: {  	v0 =	vld.idx.msk [tilespmem:v0+s2+$0x0], $0xffff;
	_ =	sdelay $0x4  }
0x18: {  	[tilespmem:s12+$0x1A6A0] =	vst v0;
	v0 =	vld [tilespmem:s12+$0x186C0]  }
0x19: {  	v1 =	vld.idx.msk [tilespmem:v1+s2+$0x0], $0xffff;
	_ =	sdelay $0x4  }
0x1a: {  	[tilespmem:s12+$0x1A6B0] =	vst v1;
	v1 =	vld [tilespmem:s12+$0x186D0];
	_ =	sdelay $0x1  }
0x1b: {  	v0 =	vld.idx.msk [tilespmem:v0+s2+$0x0], $0xffff;
	_ =	sdelay $0x4  }
0x1c: {  	[tilespmem:s12+$0x1A6C0] =	vst v0;
	v0 =	vld [tilespmem:s12+$0x186E0]  }
0x1d: {  	v1 =	vld.idx.msk [tilespmem:v1+s2+$0x0], $0xffff;
	_ =	sdelay $0x4  }
0x1e: {  	[tilespmem:s12+$0x1A6D0] =	vst v1;
	v1 =	vld [tilespmem:s12+$0x186F0];
	_ =	sdelay $0x1  }
0x1f: {  	v0 =	vld.idx.msk [tilespmem:v0+s2+$0x0], $0xffff;
	_ =	sdelay $0x4  }
0x20: {  	v2 =	vld [tilespmem:s12+$0x18700];
	[tilespmem:s12+$0x1A6E0] =	vst v0  }
0x21: {  	v0 =	vld.idx.msk [tilespmem:v1+s2+$0x0], $0xffff;
	_ =	sdelay $0x4  }
0x22: {  	[tilespmem:s12+$0x1A6F0] =	vst v0;
	v0 =	vld [tilespmem:s12+$0x18710];
	_ =	sdelay $0x1  }
0x23: {  	v1 =	vld.idx.msk [tilespmem:v2+s2+$0x0], $0xffff;
	_ =	sdelay $0x3  }
0x24: {  	s14 =	simm.s32 $0x80;
	s13 =	simm.s32 $0x400  }
.LBB2_2:
0x25: {  	p0 =	sne.s32 s13, $0x7E00;
	v2 =	vld [tilespmem:s14+$0x186A0];
	[tilespmem:s12+$0x1A700] =	vst v1  }
0x26: {  	v0 =	vld.idx.msk [tilespmem:v0+s2+$0x0], $0xffff;
	_ =	sdelay $0x5  }
0x27: {  	v1 =	vld [tilespmem:s14+$0x186B0];
	[tilespmem:s12+$0x1A710] =	vst v0;
	s12 =	smov.u32 s14  }
0x28: {  	v0 =	vld.idx.msk [tilespmem:v2+s2+$0x0], $0xffff;
	_ =	sdelay $0x5  }
0x29: {  	[tilespmem:s12+$0x1A6A0] =	vst v0;
	v0 =	vld [tilespmem:s12+$0x186C0]  }
0x2a: {  	v1 =	vld.idx.msk [tilespmem:v1+s2+$0x0], $0xffff;
	_ =	sdelay $0x5  }
0x2b: {  	[tilespmem:s12+$0x1A6B0] =	vst v1;
	v1 =	vld [tilespmem:s12+$0x186D0]  }
0x2c: {  	v0 =	vld.idx.msk [tilespmem:v0+s2+$0x0], $0xffff;
	_ =	sdelay $0x5  }
0x2d: {  	[tilespmem:s12+$0x1A6C0] =	vst v0;
	v0 =	vld [tilespmem:s12+$0x186E0]  }
0x2e: {  	v1 =	vld.idx.msk [tilespmem:v1+s2+$0x0], $0xffff;
	_ =	sdelay $0x5  }
0x2f: {  	[tilespmem:s12+$0x1A6D0] =	vst v1;
	v1 =	vld [tilespmem:s12+$0x186F0]  }
0x30: {  	v0 =	vld.idx.msk [tilespmem:v0+s2+$0x0], $0xffff;
	_ =	sdelay $0x5  }
0x31: {  	[tilespmem:s12+$0x1A6E0] =	vst v0;
	v2 =	vld [tilespmem:s12+$0x18700]  }
0x32: {  	v0 =	vld.idx.msk [tilespmem:v1+s2+$0x0], $0xffff;
	_ =	sdelay $0x5  }
0x33: {  	[tilespmem:s12+$0x1A6F0] =	vst v0;
	v0 =	vld [tilespmem:s12+$0x18710]  }
0x34: {  	v1 =	vld.idx.msk [tilespmem:v2+s2+$0x0], $0xffff  }
.Ltmp0:
0x35: {  	(pc) =	sbr.rel @p0 .LBB2_2-.Ltmp0, $2  }
0x36: {  	_ =	sdelay $0x2  }
0x37: {  	s14 =	sshra.s32 s13, $0x2;
	s13 =	sadd.s32 $0x200, s13  }
0x38: {  	_ =	sdelay $0x1  }
0x39: {  	v2 =	vld [tilespmem:s14+$0x186A0]  }
0x3a: {  	[tilespmem:s12+$0x1A700] =	vst v1  }
0x3b: {  	v0 =	vld.idx.msk [tilespmem:v0+s2+$0x0], $0xffff;
	_ =	sdelay $0x3  }
0x3c: {  	v1 =	vld [tilespmem:s14+$0x186B0]  }
0x3d: {  	[tilespmem:s12+$0x1A710] =	vst v0  }
0x3e: {  	v0 =	vld.idx.msk [tilespmem:v2+s2+$0x0], $0xffff;
	_ =	sdelay $0x3  }
0x3f: {  	v58 =	vld [tilespmem:s14+$0x186C0]  }
0x40: {  	[tilespmem:s14+$0x1A6A0] =	vst v0  }
0x41: {  	v1 =	vld.idx.msk [tilespmem:v1+s2+$0x0], $0xffff;
	_ =	sdelay $0x3  }
0x42: {  	v59 =	vld [tilespmem:s14+$0x186D0]  }
0x43: {  	[tilespmem:s14+$0x1A6B0] =	vst v1  }
0x44: {  	v0 =	vld.idx.msk [tilespmem:v58+s2+$0x0], $0xffff;
	_ =	sdelay $0x3  }
0x45: {  	v60 =	vld [tilespmem:s14+$0x186E0]  }
0x46: {  	[tilespmem:s14+$0x1A6C0] =	vst v0  }
0x47: {  	v1 =	vld.idx.msk [tilespmem:v59+s2+$0x0], $0xffff;
	_ =	sdelay $0x3  }
0x48: {  	v61 =	vld [tilespmem:s14+$0x186F0]  }
0x49: {  	[tilespmem:s14+$0x1A6D0] =	vst v1  }
0x4a: {  	v0 =	vld.idx.msk [tilespmem:v60+s2+$0x0], $0xffff;
	_ =	sdelay $0x3  }
0x4b: {  	v62 =	vld [tilespmem:s14+$0x18700]  }
0x4c: {  	[tilespmem:s14+$0x1A6E0] =	vst v0  }
0x4d: {  	v1 =	vld.idx.msk [tilespmem:v61+s2+$0x0], $0xffff;
	_ =	sdelay $0x3  }
0x4e: {  	v63 =	vld [tilespmem:s14+$0x18710]  }
0x4f: {  	[tilespmem:s14+$0x1A6F0] =	vst v1  }
0x50: {  	v0 =	vld.idx.msk [tilespmem:v62+s2+$0x0], $0xffff;
	_ =	sdelay $0x4  }
0x51: {  	[tilespmem:s14+$0x1A700] =	vst v0  }
0x52: {  	v0 =	vld.idx.msk [tilespmem:v63+s2+$0x0], $0xffff;
	_ =	sdelay $0x2  }
0x53: {  	s11 =	sadd.s32 $0x1, s11  }
0x54: {  	p0 =	sne.s32 s11, s6  }
.Ltmp1:
0x55: {  	[tilespmem:s14+$0x1A710] =	vst v0;
	(pc) =	sbr.rel @p0 .LBB2_1-.Ltmp1, $4  }
0x56: {  	[hbm4b:s5+s2] =	stream.linear.scatter [tilespmem:s10], [sflag:$0x1], $0x2000, $0x38;
	[tilespmem:$0x1C6A0] =	vst v63  }
0x57: {  	_ =	swait.ge [sflag:s8], $0x2000  }
0x58: {  	[sflag:s8] =	ssyncset.done $0x0  }
0x59: {  	[sflag:s8] =	ssyncadd.s32 $0xFFFFE000  }
0x5a: {  	_ =	sfence.sel $0x180000  }
0x5b: {  	[bflag:$0x0] =	sbarrier.arrive $0xFFFF  }
0x5c: {  	p0 =	sne.s32 s1, $0x0;
	_ =	strace $0x9000004A  }
0x5d: {  	s0 =	sadd.s32 @!p0 $0x100000, s0;
	[bflag:$0x2] =	sbarrier.arrive $0xFFFF  }
0x5e: {  	[sflag:s0] =	ssyncadd.tile.s32 @!p0 $0x1;
	_ =	shalt  }
.Lfunc_end2:
_tile_overlayer_lowered:
.L_overlay_start_2:
0x5f: {  	(tag) =	ssettag $0x2  }
0x60: {  	s0 =	rddreg [dreg:$0x0];
	s2 =	stileid.u32  }
0x61: {  	s1 =	rddreg [dreg:$0x1];
	p0 =	sne.s32 s2, $0x0  }
0x62: {  	s3 =	rddreg [dreg:$0x2];
	[bflag:$0x3] =	sbarrier.arrive $0xFFFF;
	s2 =	simm.s32 @!p0 $0x1C03  }
0x63: {  	[timem:s3], [sflag:s2] =	dma.local @!p0 [hbm:s0], s1  }
0x64: {  	s0 =	simm.s32 @!p0 $0x3  }
0x65: {  	_ =	swait.ge @!p0 [sflag:s0], s1  }
0x66: {  	s1 =	ssub.s32 @!p0 $0x0, s1;
	[sflag:s0] =	ssyncset.done @!p0 $0x0  }
0x67: {  	[sflag:s0] =	ssyncadd.s32 @!p0 s1  }
0x68: {  	[bflag:$0x3] =	sbarrier.arrive $0xFFFF  }
0x69: {  	_ =	shalt  }

</sc_bundles>
